<compile_context>
chip_gen: v7x
topology: tpu7x:2x2x1
jax: 0.10.2.dev20260603
libtpu: 0.0.44.dev20260713+nightly
codegen_flags: <defaults>
</compile_context>

<pallas_src>
import jax
import jax.numpy as jnp
from jax import lax
from jax.experimental import pallas as pl
from jax.experimental.pallas import tpu as pltpu
from jax.experimental.pallas import tpu_sc as plsc

_N, _C, _L = 32, 128, 8192
_LANES = 16
_CHUNKS = _L // _LANES
_NBLK = _C // 4


def _sc_body(inp_hbm, grid_hbm, out_hbm, grid_v, idx_v, w1_v,
             in_a0, in_a1, in_b0, in_b1, out_a0, out_a1, out_b0, out_b1,
             si_a, si_b, so_a, so_b):
    core = lax.axis_index("c")
    sub = lax.axis_index("s")
    w = sub * 2 + core

    pltpu.sync_copy(grid_hbm.at[w], grid_v)
    pltpu.async_copy(inp_hbm.at[w, 0], in_a0, si_a)
    pltpu.async_copy(inp_hbm.at[w, 1], in_a1, si_a)

    @plsc.parallel_loop(0, _CHUNKS, unroll=4)
    def _widx(k):
        s = pl.ds(k * _LANES, _LANES)
        g = grid_v[s]
        ix = (g + 1.0) * (0.5 * (_L - 1))
        ix = jnp.minimum(jnp.maximum(ix, 0.0), float(_L - 1))
        i0 = ix.astype(jnp.int32)
        idx_v[s] = i0
        w1_v[s] = ix - i0.astype(jnp.float32)

    def _compute(in0, in1, out0, out1):
        @plsc.parallel_loop(0, _CHUNKS, unroll=4)
        def _chunk(k):
            s = pl.ds(k * _LANES, _LANES)
            i0 = idx_v[s]
            w1 = w1_v[s]
            i1 = jnp.minimum(i0 + 1, _L - 1)
            v0 = plsc.load_gather(in0, [i0])
            v1 = plsc.load_gather(in0, [i1])
            out0[s] = v0 + w1 * (v1 - v0)
            u0 = plsc.load_gather(in1, [i0])
            u1 = plsc.load_gather(in1, [i1])
            out1[s] = u0 + w1 * (u1 - u0)

    def _loop(j, carry):
        c0 = 4 * j
        pltpu.async_copy(inp_hbm.at[w, c0 + 2], in_b0, si_b)
        pltpu.async_copy(inp_hbm.at[w, c0 + 3], in_b1, si_b)
        pltpu.make_async_copy(inp_hbm.at[w, c0], in_a0, si_a).wait()
        pltpu.make_async_copy(inp_hbm.at[w, c0 + 1], in_a1, si_a).wait()

        @pl.when(j > 0)
        def _():
            pltpu.make_async_copy(out_a0, out_hbm.at[w, c0], so_a).wait()
            pltpu.make_async_copy(out_a1, out_hbm.at[w, c0], so_a).wait()

        _compute(in_a0, in_a1, out_a0, out_a1)
        pltpu.async_copy(out_a0, out_hbm.at[w, c0], so_a)
        pltpu.async_copy(out_a1, out_hbm.at[w, c0 + 1], so_a)

        @pl.when(j < _NBLK - 1)
        def _():
            pltpu.async_copy(inp_hbm.at[w, c0 + 4], in_a0, si_a)
            pltpu.async_copy(inp_hbm.at[w, c0 + 5], in_a1, si_a)

        pltpu.make_async_copy(inp_hbm.at[w, c0 + 2], in_b0, si_b).wait()
        pltpu.make_async_copy(inp_hbm.at[w, c0 + 3], in_b1, si_b).wait()

        @pl.when(j > 0)
        def _():
            pltpu.make_async_copy(out_b0, out_hbm.at[w, c0], so_b).wait()
            pltpu.make_async_copy(out_b1, out_hbm.at[w, c0], so_b).wait()

        _compute(in_b0, in_b1, out_b0, out_b1)
        pltpu.async_copy(out_b0, out_hbm.at[w, c0 + 2], so_b)
        pltpu.async_copy(out_b1, out_hbm.at[w, c0 + 3], so_b)
        return carry

    lax.fori_loop(0, _NBLK, _loop, 0)

    pltpu.make_async_copy(out_a0, out_hbm.at[w, 0], so_a).wait()
    pltpu.make_async_copy(out_a1, out_hbm.at[w, 1], so_a).wait()
    pltpu.make_async_copy(out_b0, out_hbm.at[w, 2], so_b).wait()
    pltpu.make_async_copy(out_b1, out_hbm.at[w, 3], so_b).wait()


@jax.jit
def kernel(input, grid):
    mesh = plsc.VectorSubcoreMesh(core_axis_name="c", subcore_axis_name="s")
    f = pl.kernel(
        _sc_body,
        mesh=mesh,
        out_type=jax.ShapeDtypeStruct((_N, _C, _L), jnp.float32),
        compiler_params=pltpu.CompilerParams(needs_layout_passes=False),
        scratch_types=[
            pltpu.VMEM((_L,), jnp.float32),
            pltpu.VMEM((_L,), jnp.int32),
            pltpu.VMEM((_L,), jnp.float32),
            pltpu.VMEM((_L,), jnp.float32),
            pltpu.VMEM((_L,), jnp.float32),
            pltpu.VMEM((_L,), jnp.float32),
            pltpu.VMEM((_L,), jnp.float32),
            pltpu.VMEM((_L,), jnp.float32),
            pltpu.VMEM((_L,), jnp.float32),
            pltpu.VMEM((_L,), jnp.float32),
            pltpu.VMEM((_L,), jnp.float32),
            pltpu.SemaphoreType.DMA,
            pltpu.SemaphoreType.DMA,
            pltpu.SemaphoreType.DMA,
            pltpu.SemaphoreType.DMA,
        ],
    )
    return f(input, grid)

# --- scband reference (transcript-rebuilt; emitter-appended) ---
"""Pipeline reference for scband-grid-sample1d-19851338842351 (READ-ONLY COPY).

The authoritative reference and input builder live on the scoring server;
editing this copy changes nothing except your own understanding.
"""

import jax, jax.numpy as jnp
import numpy as np

PADDING_MODE = True   # True = border padding, False = zero padding
ALIGN_CORNERS = True


def setup_inputs(seed: int = 0) -> dict:
    key = jax.random.key(seed)
    k1, k2 = jax.random.split(key)
    inp = jax.random.normal(k1, (32, 128, 8192), dtype=jnp.float32)
    # grid coordinates are normalized to [-1, 1] like torch grid_sample
    grid = jax.random.uniform(k2, (32, 8192), dtype=jnp.float32, minval=-1.0, maxval=1.0)
    return {"input": inp, "grid": grid}


def grid_sample1d(inp, grid, padding_mode, align_corners):
    N, C, L = inp.shape
    L_out = grid.shape[1]
    if align_corners:
        ix = (grid + 1.0) * 0.5 * (L - 1)
    else:
        ix = ((grid + 1.0) * L - 1.0) * 0.5
    if padding_mode:  # border padding: clamp the unnormalized coordinate
        ix = jnp.clip(ix, 0.0, float(L - 1))
    x0 = jnp.floor(ix)
    x1 = x0 + 1.0
    w1 = ix - x0
    w0 = 1.0 - w1
    # in-bounds masks (zero-padding semantics; with border padding the clamp
    # above makes these effectively all-ones except the w1==0 edge case)
    m0 = ((x0 >= 0.0) & (x0 <= L - 1)).astype(inp.dtype)
    m1 = ((x1 >= 0.0) & (x1 <= L - 1)).astype(inp.dtype)
    i0 = jnp.clip(x0, 0.0, float(L - 1)).astype(jnp.int32)
    i1 = jnp.clip(x1, 0.0, float(L - 1)).astype(jnp.int32)
    i0b = jnp.broadcast_to(i0[:, None, :], (N, C, L_out))
    i1b = jnp.broadcast_to(i1[:, None, :], (N, C, L_out))
    v0 = jnp.take_along_axis(inp, i0b, axis=2)
    v1 = jnp.take_along_axis(inp, i1b, axis=2)
    out = v0 * (w0 * m0)[:, None, :] + v1 * (w1 * m1)[:, None, :]
    return out


def reference(input, grid):
    return grid_sample1d(input, grid, PADDING_MODE, ALIGN_CORNERS)

if __name__ == "__main__":
    import jax
    _d = setup_inputs()
    print(jax.jit(kernel)(*tuple(_d.values())))

</pallas_src>

<mosaic_0001>
#map = affine_map<(d0, d1) -> (0, 0, 0)>
#map1 = affine_map<(d0, d1) -> (0, 0)>
module attributes {stable_mosaic.version = 14 : i64} {
  func.func @_sc_body(%arg0: i32, %arg1: i32, %arg2: memref<32x128x8192xf32, #tpu.memory_space<hbm>>, %arg3: memref<32x8192xf32, #tpu.memory_space<hbm>>, %arg4: memref<32x128x8192xf32, #tpu.memory_space<hbm>>, %arg5: memref<8192xf32, #tpu.memory_space<vmem>>, %arg6: memref<8192xi32, #tpu.memory_space<vmem>>, %arg7: memref<8192xf32, #tpu.memory_space<vmem>>, %arg8: memref<8192xf32, #tpu.memory_space<vmem>>, %arg9: memref<8192xf32, #tpu.memory_space<vmem>>, %arg10: memref<8192xf32, #tpu.memory_space<vmem>>, %arg11: memref<8192xf32, #tpu.memory_space<vmem>>, %arg12: memref<8192xf32, #tpu.memory_space<vmem>>, %arg13: memref<8192xf32, #tpu.memory_space<vmem>>, %arg14: memref<8192xf32, #tpu.memory_space<vmem>>, %arg15: memref<8192xf32, #tpu.memory_space<vmem>>, %arg16: memref<!tpu.dma_semaphore, #tpu.memory_space<semaphore_mem>>, %arg17: memref<!tpu.dma_semaphore, #tpu.memory_space<semaphore_mem>>, %arg18: memref<!tpu.dma_semaphore, #tpu.memory_space<semaphore_mem>>, %arg19: memref<!tpu.dma_semaphore, #tpu.memory_space<semaphore_mem>>) attributes {dimension_semantics = [#tpu.dimension_semantics<core_parallel>, #tpu.dimension_semantics<subcore_parallel>], iteration_bounds = array<i64: 2, 16>, scalar_prefetch = 0 : i64, scratch_operands = 15 : i64, tpu.core_type = #tpu.core_type<sc_vector_subcore>, window_params = [{transform_indices = #map}, {transform_indices = #map1}, {transform_indices = #map}]} {
    %mul3A = arith.constant 2 : i32
    %mul3A_0 = arith.muli %arg1, %mul3A : i32
    %add3A = arith.addi %mul3A_0, %arg0 : i32
    "tpu.region"() ({
      %run_scoped3A = tpu.sem_alloc : memref<!tpu.dma_semaphore, #tpu.memory_space<semaphore_mem>>
      %dma_start3A_48 = arith.constant 0 : i32
      %dma_start3A_49 = tpu.memref_slice %arg3[%add3A, %dma_start3A_48] : memref<32x8192xf32, #tpu.memory_space<hbm>> -> memref<1x8192xf32, #tpu.memory_space<hbm>>
      %dma_start3A_50 = tpu.memref_squeeze %dma_start3A_49 : memref<1x8192xf32, #tpu.memory_space<hbm>> -> memref<8192xf32, #tpu.memory_space<hbm>>
      %dma_start3A_51 = arith.constant 0 : i32
      %dma_start3A_52 = tpu.memref_slice %arg3[%add3A, %dma_start3A_51] : memref<32x8192xf32, #tpu.memory_space<hbm>> -> memref<1x8192xf32, #tpu.memory_space<hbm>>
      %dma_start3A_53 = tpu.memref_squeeze %dma_start3A_52 : memref<1x8192xf32, #tpu.memory_space<hbm>> -> memref<8192xf32, #tpu.memory_space<hbm>>
      tpu.enqueue_dma source(%dma_start3A_53 : memref<8192xf32, #tpu.memory_space<hbm>>) target(%arg5 : memref<8192xf32, #tpu.memory_space<vmem>>) target_semaphore(%run_scoped3A : memref<!tpu.dma_semaphore, #tpu.memory_space<semaphore_mem>>)
      %dma_wait3A_54 = arith.constant 0 : i32
      %dma_wait3A_55 = tpu.memref_slice %arg3[%add3A, %dma_wait3A_54] : memref<32x8192xf32, #tpu.memory_space<hbm>> -> memref<1x8192xf32, #tpu.memory_space<hbm>>
      %dma_wait3A_56 = tpu.memref_squeeze %dma_wait3A_55 : memref<1x8192xf32, #tpu.memory_space<hbm>> -> memref<8192xf32, #tpu.memory_space<hbm>>
      %dma_wait3A_57 = arith.constant 0 : i32
      %dma_wait3A_58 = tpu.memref_slice %arg3[%add3A, %dma_wait3A_57] : memref<32x8192xf32, #tpu.memory_space<hbm>> -> memref<1x8192xf32, #tpu.memory_space<hbm>>
      %dma_wait3A_59 = tpu.memref_squeeze %dma_wait3A_58 : memref<1x8192xf32, #tpu.memory_space<hbm>> -> memref<8192xf32, #tpu.memory_space<hbm>>
      tpu.wait_dma2 semaphore(%run_scoped3A : memref<!tpu.dma_semaphore, #tpu.memory_space<semaphore_mem>>) src(%dma_wait3A_59 : memref<8192xf32, #tpu.memory_space<hbm>>) dst(%arg5 : memref<8192xf32, #tpu.memory_space<vmem>>)
      tpu.yield
    }) : () -> ()
    %dma_start3A = arith.constant 0 : i32
    %dma_start3A_1 = arith.constant 0 : i32
    %dma_start3A_2 = tpu.memref_slice %arg2[%add3A, %dma_start3A, %dma_start3A_1] : memref<32x128x8192xf32, #tpu.memory_space<hbm>> -> memref<1x1x8192xf32, #tpu.memory_space<hbm>>
    %dma_start3A_3 = tpu.memref_squeeze %dma_start3A_2 : memref<1x1x8192xf32, #tpu.memory_space<hbm>> -> memref<8192xf32, #tpu.memory_space<hbm>>
    %dma_start3A_4 = arith.constant 0 : i32
    %dma_start3A_5 = tpu.memref_slice %arg2[%add3A, %dma_start3A, %dma_start3A_4] : memref<32x128x8192xf32, #tpu.memory_space<hbm>> -> memref<1x1x8192xf32, #tpu.memory_space<hbm>>
    %dma_start3A_6 = tpu.memref_squeeze %dma_start3A_5 : memref<1x1x8192xf32, #tpu.memory_space<hbm>> -> memref<8192xf32, #tpu.memory_space<hbm>>
    tpu.enqueue_dma source(%dma_start3A_6 : memref<8192xf32, #tpu.memory_space<hbm>>) target(%arg8 : memref<8192xf32, #tpu.memory_space<vmem>>) target_semaphore(%arg16 : memref<!tpu.dma_semaphore, #tpu.memory_space<semaphore_mem>>)
    %dma_start3A_7 = arith.constant 1 : i32
    %dma_start3A_8 = arith.constant 0 : i32
    %dma_start3A_9 = tpu.memref_slice %arg2[%add3A, %dma_start3A_7, %dma_start3A_8] : memref<32x128x8192xf32, #tpu.memory_space<hbm>> -> memref<1x1x8192xf32, #tpu.memory_space<hbm>>
    %dma_start3A_10 = tpu.memref_squeeze %dma_start3A_9 : memref<1x1x8192xf32, #tpu.memory_space<hbm>> -> memref<8192xf32, #tpu.memory_space<hbm>>
    %dma_start3A_11 = arith.constant 0 : i32
    %dma_start3A_12 = tpu.memref_slice %arg2[%add3A, %dma_start3A_7, %dma_start3A_11] : memref<32x128x8192xf32, #tpu.memory_space<hbm>> -> memref<1x1x8192xf32, #tpu.memory_space<hbm>>
    %dma_start3A_13 = tpu.memref_squeeze %dma_start3A_12 : memref<1x1x8192xf32, #tpu.memory_space<hbm>> -> memref<8192xf32, #tpu.memory_space<hbm>>
    tpu.enqueue_dma source(%dma_start3A_13 : memref<8192xf32, #tpu.memory_space<hbm>>) target(%arg9 : memref<8192xf32, #tpu.memory_space<vmem>>) target_semaphore(%arg16 : memref<!tpu.dma_semaphore, #tpu.memory_space<semaphore_mem>>)
    %parallel_loop3A = arith.constant 0 : i32
    %parallel_loop3A_14 = arith.constant 512 : i32
    %parallel_loop3A_15 = arith.constant 1 : i32
    scf.for %parallel_loop3A_48 = %parallel_loop3A to %parallel_loop3A_14 step %parallel_loop3A_15  : i32 {
      %parallel_loop3A_49 = arith.constant 16 : i32
      %parallel_loop3A_50 = arith.muli %parallel_loop3A_48, %parallel_loop3A_49 : i32
      %parallel_loop3A_51 = arith.index_cast %parallel_loop3A_50 : i32 to index
      %parallel_loop3A_52 = tpu.vector_load %arg5[%parallel_loop3A_51] {strides = array<i32>} : memref<8192xf32, #tpu.memory_space<vmem>>, vector<16xf32>,
      %parallel_loop3A_53 = arith.constant 1.000000e+00 : f32
      %parallel_loop3A_54 = vector.broadcast %parallel_loop3A_53 : f32 to vector<16xf32>
      %parallel_loop3A_55 = arith.addf %parallel_loop3A_52, %parallel_loop3A_54 : vector<16xf32>
      %parallel_loop3A_56 = arith.constant 4.095500e+03 : f32
      %parallel_loop3A_57 = vector.broadcast %parallel_loop3A_56 : f32 to vector<16xf32>
      %parallel_loop3A_58 = arith.mulf %parallel_loop3A_55, %parallel_loop3A_57 : vector<16xf32>
      %parallel_loop3A_59 = arith.constant 0.000000e+00 : f32
      %parallel_loop3A_60 = vector.broadcast %parallel_loop3A_59 : f32 to vector<16xf32>
      %parallel_loop3A_61 = arith.maximumf %parallel_loop3A_58, %parallel_loop3A_60 : vector<16xf32>
      %parallel_loop3A_62 = arith.constant 8.191000e+03 : f32
      %parallel_loop3A_63 = vector.broadcast %parallel_loop3A_62 : f32 to vector<16xf32>
      %parallel_loop3A_64 = arith.minimumf %parallel_loop3A_61, %parallel_loop3A_63 : vector<16xf32>
      %parallel_loop3A_65 = arith.fptosi %parallel_loop3A_64 : vector<16xf32> to vector<16xi32>
      %parallel_loop3A_66 = arith.index_cast %parallel_loop3A_50 : i32 to index
      %parallel_loop3A_67 = tpu.vector_load %arg6[%parallel_loop3A_66] {strides = array<i32>} : memref<8192xi32, #tpu.memory_space<vmem>>, vector<16xi32>,
      tpu.vector_store %arg6[%parallel_loop3A_66], %parallel_loop3A_65 {strides = array<i32>} : memref<8192xi32, #tpu.memory_space<vmem>>, vector<16xi32>,
      %parallel_loop3A_68 = arith.sitofp %parallel_loop3A_65 : vector<16xi32> to vector<16xf32>
      %parallel_loop3A_69 = arith.subf %parallel_loop3A_64, %parallel_loop3A_68 : vector<16xf32>
      %parallel_loop3A_70 = arith.index_cast %parallel_loop3A_50 : i32 to index
      %parallel_loop3A_71 = tpu.vector_load %arg7[%parallel_loop3A_70] {strides = array<i32>} : memref<8192xf32, #tpu.memory_space<vmem>>, vector<16xf32>,
      tpu.vector_store %arg7[%parallel_loop3A_70], %parallel_loop3A_69 {strides = array<i32>} : memref<8192xf32, #tpu.memory_space<vmem>>, vector<16xf32>,
    } {sc.loop_unroll_factor = 4 : i64, sc.parallel_access}
    %scan3A = arith.constant 0 : i32
    %scan3A_16 = arith.constant 0 : i32
    %scan3A_17 = arith.constant 32 : i32
    %scan3A_18 = arith.addi %scan3A_16, %scan3A_17 : i32
    %scan3A_19 = arith.constant 1 : i32
    scf.for %scan3A_48 = %scan3A_16 to %scan3A_18 step %scan3A_19  : i32 {
      %mul3A_49 = arith.constant 4 : i32
      %mul3A_50 = arith.muli %mul3A_49, %scan3A_48 : i32
      %add3A_51 = arith.constant 2 : i32
      %add3A_52 = arith.addi %mul3A_50, %add3A_51 : i32
      %dma_start3A_53 = arith.constant 0 : i32
      %dma_start3A_54 = tpu.memref_slice %arg2[%add3A, %add3A_52, %dma_start3A_53] : memref<32x128x8192xf32, #tpu.memory_space<hbm>> -> memref<1x1x8192xf32, #tpu.memory_space<hbm>>
      %dma_start3A_55 = tpu.memref_squeeze %dma_start3A_54 : memref<1x1x8192xf32, #tpu.memory_space<hbm>> -> memref<8192xf32, #tpu.memory_space<hbm>>
      %dma_start3A_56 = arith.constant 0 : i32
      %dma_start3A_57 = tpu.memref_slice %arg2[%add3A, %add3A_52, %dma_start3A_56] : memref<32x128x8192xf32, #tpu.memory_space<hbm>> -> memref<1x1x8192xf32, #tpu.memory_space<hbm>>
      %dma_start3A_58 = tpu.memref_squeeze %dma_start3A_57 : memref<1x1x8192xf32, #tpu.memory_space<hbm>> -> memref<8192xf32, #tpu.memory_space<hbm>>
      tpu.enqueue_dma source(%dma_start3A_58 : memref<8192xf32, #tpu.memory_space<hbm>>) target(%arg10 : memref<8192xf32, #tpu.memory_space<vmem>>) target_semaphore(%arg17 : memref<!tpu.dma_semaphore, #tpu.memory_space<semaphore_mem>>)
      %add3A_59 = arith.constant 3 : i32
      %add3A_60 = arith.addi %mul3A_50, %add3A_59 : i32
      %dma_start3A_61 = arith.constant 0 : i32
      %dma_start3A_62 = tpu.memref_slice %arg2[%add3A, %add3A_60, %dma_start3A_61] : memref<32x128x8192xf32, #tpu.memory_space<hbm>> -> memref<1x1x8192xf32, #tpu.memory_space<hbm>>
      %dma_start3A_63 = tpu.memref_squeeze %dma_start3A_62 : memref<1x1x8192xf32, #tpu.memory_space<hbm>> -> memref<8192xf32, #tpu.memory_space<hbm>>
      %dma_start3A_64 = arith.constant 0 : i32
      %dma_start3A_65 = tpu.memref_slice %arg2[%add3A, %add3A_60, %dma_start3A_64] : memref<32x128x8192xf32, #tpu.memory_space<hbm>> -> memref<1x1x8192xf32, #tpu.memory_space<hbm>>
      %dma_start3A_66 = tpu.memref_squeeze %dma_start3A_65 : memref<1x1x8192xf32, #tpu.memory_space<hbm>> -> memref<8192xf32, #tpu.memory_space<hbm>>
      tpu.enqueue_dma source(%dma_start3A_66 : memref<8192xf32, #tpu.memory_space<hbm>>) target(%arg11 : memref<8192xf32, #tpu.memory_space<vmem>>) target_semaphore(%arg17 : memref<!tpu.dma_semaphore, #tpu.memory_space<semaphore_mem>>)
      %dma_wait3A_67 = arith.constant 0 : i32
      %dma_wait3A_68 = tpu.memref_slice %arg2[%add3A, %mul3A_50, %dma_wait3A_67] : memref<32x128x8192xf32, #tpu.memory_space<hbm>> -> memref<1x1x8192xf32, #tpu.memory_space<hbm>>
      %dma_wait3A_69 = tpu.memref_squeeze %dma_wait3A_68 : memref<1x1x8192xf32, #tpu.memory_space<hbm>> -> memref<8192xf32, #tpu.memory_space<hbm>>
      %dma_wait3A_70 = arith.constant 0 : i32
      %dma_wait3A_71 = tpu.memref_slice %arg2[%add3A, %mul3A_50, %dma_wait3A_70] : memref<32x128x8192xf32, #tpu.memory_space<hbm>> -> memref<1x1x8192xf32, #tpu.memory_space<hbm>>
      %dma_wait3A_72 = tpu.memref_squeeze %dma_wait3A_71 : memref<1x1x8192xf32, #tpu.memory_space<hbm>> -> memref<8192xf32, #tpu.memory_space<hbm>>
      tpu.wait_dma2 semaphore(%arg16 : memref<!tpu.dma_semaphore, #tpu.memory_space<semaphore_mem>>) src(%dma_wait3A_72 : memref<8192xf32, #tpu.memory_space<hbm>>) dst(%arg8 : memref<8192xf32, #tpu.memory_space<vmem>>)
      %add3A_73 = arith.constant 1 : i32
      %add3A_74 = arith.addi %mul3A_50, %add3A_73 : i32
      %dma_wait3A_75 = arith.constant 0 : i32
      %dma_wait3A_76 = tpu.memref_slice %arg2[%add3A, %add3A_74, %dma_wait3A_75] : memref<32x128x8192xf32, #tpu.memory_space<hbm>> -> memref<1x1x8192xf32, #tpu.memory_space<hbm>>
      %dma_wait3A_77 = tpu.memref_squeeze %dma_wait3A_76 : memref<1x1x8192xf32, #tpu.memory_space<hbm>> -> memref<8192xf32, #tpu.memory_space<hbm>>
      %dma_wait3A_78 = arith.constant 0 : i32
      %dma_wait3A_79 = tpu.memref_slice %arg2[%add3A, %add3A_74, %dma_wait3A_78] : memref<32x128x8192xf32, #tpu.memory_space<hbm>> -> memref<1x1x8192xf32, #tpu.memory_space<hbm>>
      %dma_wait3A_80 = tpu.memref_squeeze %dma_wait3A_79 : memref<1x1x8192xf32, #tpu.memory_space<hbm>> -> memref<8192xf32, #tpu.memory_space<hbm>>
      tpu.wait_dma2 semaphore(%arg16 : memref<!tpu.dma_semaphore, #tpu.memory_space<semaphore_mem>>) src(%dma_wait3A_80 : memref<8192xf32, #tpu.memory_space<hbm>>) dst(%arg9 : memref<8192xf32, #tpu.memory_space<vmem>>)
      %gt3A = arith.constant 0 : i32
      %gt3A_81 = arith.cmpi sgt, %scan3A_48, %gt3A : i32
      %convert_element_type3A = arith.extui %gt3A_81 : i1 to i32
      %cond3A = arith.constant 0 : i32
      %cond3A_82 = arith.cmpi ne, %convert_element_type3A, %cond3A : i32
      scf.if %cond3A_82 {
        %dma_wait3A_144 = arith.constant 0 : i32
        %dma_wait3A_145 = tpu.memref_slice %arg4[%add3A, %mul3A_50, %dma_wait3A_144] : memref<32x128x8192xf32, #tpu.memory_space<hbm>> -> memref<1x1x8192xf32, #tpu.memory_space<hbm>>
        %dma_wait3A_146 = tpu.memref_squeeze %dma_wait3A_145 : memref<1x1x8192xf32, #tpu.memory_space<hbm>> -> memref<8192xf32, #tpu.memory_space<hbm>>
        %dma_wait3A_147 = arith.constant 0 : i32
        %dma_wait3A_148 = tpu.memref_slice %arg4[%add3A, %mul3A_50, %dma_wait3A_147] : memref<32x128x8192xf32, #tpu.memory_space<hbm>> -> memref<1x1x8192xf32, #tpu.memory_space<hbm>>
        %dma_wait3A_149 = tpu.memref_squeeze %dma_wait3A_148 : memref<1x1x8192xf32, #tpu.memory_space<hbm>> -> memref<8192xf32, #tpu.memory_space<hbm>>
        tpu.wait_dma2 semaphore(%arg18 : memref<!tpu.dma_semaphore, #tpu.memory_space<semaphore_mem>>) src(%arg12 : memref<8192xf32, #tpu.memory_space<vmem>>) dst(%dma_wait3A_149 : memref<8192xf32, #tpu.memory_space<hbm>>)
        %dma_wait3A_150 = arith.constant 0 : i32
        %dma_wait3A_151 = tpu.memref_slice %arg4[%add3A, %mul3A_50, %dma_wait3A_150] : memref<32x128x8192xf32, #tpu.memory_space<hbm>> -> memref<1x1x8192xf32, #tpu.memory_space<hbm>>
        %dma_wait3A_152 = tpu.memref_squeeze %dma_wait3A_151 : memref<1x1x8192xf32, #tpu.memory_space<hbm>> -> memref<8192xf32, #tpu.memory_space<hbm>>
        %dma_wait3A_153 = arith.constant 0 : i32
        %dma_wait3A_154 = tpu.memref_slice %arg4[%add3A, %mul3A_50, %dma_wait3A_153] : memref<32x128x8192xf32, #tpu.memory_space<hbm>> -> memref<1x1x8192xf32, #tpu.memory_space<hbm>>
        %dma_wait3A_155 = tpu.memref_squeeze %dma_wait3A_154 : memref<1x1x8192xf32, #tpu.memory_space<hbm>> -> memref<8192xf32, #tpu.memory_space<hbm>>
        tpu.wait_dma2 semaphore(%arg18 : memref<!tpu.dma_semaphore, #tpu.memory_space<semaphore_mem>>) src(%arg13 : memref<8192xf32, #tpu.memory_space<vmem>>) dst(%dma_wait3A_155 : memref<8192xf32, #tpu.memory_space<hbm>>)
      } else {
      }
      %parallel_loop3A_83 = arith.constant 0 : i32
      %parallel_loop3A_84 = arith.constant 512 : i32
      %parallel_loop3A_85 = arith.constant 1 : i32
      scf.for %parallel_loop3A_144 = %parallel_loop3A_83 to %parallel_loop3A_84 step %parallel_loop3A_85  : i32 {
        %parallel_loop3A_145 = arith.constant 16 : i32
        %parallel_loop3A_146 = arith.muli %parallel_loop3A_144, %parallel_loop3A_145 : i32
        %parallel_loop3A_147 = arith.index_cast %parallel_loop3A_146 : i32 to index
        %parallel_loop3A_148 = tpu.vector_load %arg6[%parallel_loop3A_147] {strides = array<i32>} : memref<8192xi32, #tpu.memory_space<vmem>>, vector<16xi32>,
        %parallel_loop3A_149 = arith.index_cast %parallel_loop3A_146 : i32 to index
        %parallel_loop3A_150 = tpu.vector_load %arg7[%parallel_loop3A_149] {strides = array<i32>} : memref<8192xf32, #tpu.memory_space<vmem>>, vector<16xf32>,
        %parallel_loop3A_151 = arith.constant 1 : i32
        %parallel_loop3A_152 = vector.broadcast %parallel_loop3A_151 : i32 to vector<16xi32>
        %parallel_loop3A_153 = arith.addi %parallel_loop3A_148, %parallel_loop3A_152 : vector<16xi32>
        %parallel_loop3A_154 = arith.constant 8191 : i32
        %parallel_loop3A_155 = vector.broadcast %parallel_loop3A_154 : i32 to vector<16xi32>
        %parallel_loop3A_156 = arith.minsi %parallel_loop3A_153, %parallel_loop3A_155 : vector<16xi32>
        %parallel_loop3A_157 = tpu.vector_load_idx %arg8[%parallel_loop3A_148] : memref<8192xf32, #tpu.memory_space<vmem>>[vector<16xi32>], vector<16xf32>,
        %parallel_loop3A_158 = tpu.vector_load_idx %arg8[%parallel_loop3A_156] : memref<8192xf32, #tpu.memory_space<vmem>>[vector<16xi32>], vector<16xf32>,
        %parallel_loop3A_159 = arith.subf %parallel_loop3A_158, %parallel_loop3A_157 : vector<16xf32>
        %parallel_loop3A_160 = arith.mulf %parallel_loop3A_150, %parallel_loop3A_159 : vector<16xf32>
        %parallel_loop3A_161 = arith.addf %parallel_loop3A_157, %parallel_loop3A_160 : vector<16xf32>
        %parallel_loop3A_162 = arith.index_cast %parallel_loop3A_146 : i32 to index
        %parallel_loop3A_163 = tpu.vector_load %arg12[%parallel_loop3A_162] {strides = array<i32>} : memref<8192xf32, #tpu.memory_space<vmem>>, vector<16xf32>,
        tpu.vector_store %arg12[%parallel_loop3A_162], %parallel_loop3A_161 {strides = array<i32>} : memref<8192xf32, #tpu.memory_space<vmem>>, vector<16xf32>,
        %parallel_loop3A_164 = tpu.vector_load_idx %arg9[%parallel_loop3A_148] : memref<8192xf32, #tpu.memory_space<vmem>>[vector<16xi32>], vector<16xf32>,
        %parallel_loop3A_165 = tpu.vector_load_idx %arg9[%parallel_loop3A_156] : memref<8192xf32, #tpu.memory_space<vmem>>[vector<16xi32>], vector<16xf32>,
        %parallel_loop3A_166 = arith.subf %parallel_loop3A_165, %parallel_loop3A_164 : vector<16xf32>
        %parallel_loop3A_167 = arith.mulf %parallel_loop3A_150, %parallel_loop3A_166 : vector<16xf32>
        %parallel_loop3A_168 = arith.addf %parallel_loop3A_164, %parallel_loop3A_167 : vector<16xf32>
        %parallel_loop3A_169 = arith.index_cast %parallel_loop3A_146 : i32 to index
        %parallel_loop3A_170 = tpu.vector_load %arg13[%parallel_loop3A_169] {strides = array<i32>} : memref<8192xf32, #tpu.memory_space<vmem>>, vector<16xf32>,
        tpu.vector_store %arg13[%parallel_loop3A_169], %parallel_loop3A_168 {strides = array<i32>} : memref<8192xf32, #tpu.memory_space<vmem>>, vector<16xf32>,
      } {sc.loop_unroll_factor = 4 : i64, sc.parallel_access}
      %dma_start3A_86 = arith.constant 0 : i32
      %dma_start3A_87 = tpu.memref_slice %arg4[%add3A, %mul3A_50, %dma_start3A_86] : memref<32x128x8192xf32, #tpu.memory_space<hbm>> -> memref<1x1x8192xf32, #tpu.memory_space<hbm>>
      %dma_start3A_88 = tpu.memref_squeeze %dma_start3A_87 : memref<1x1x8192xf32, #tpu.memory_space<hbm>> -> memref<8192xf32, #tpu.memory_space<hbm>>
      %dma_start3A_89 = arith.constant 0 : i32
      %dma_start3A_90 = tpu.memref_slice %arg4[%add3A, %mul3A_50, %dma_start3A_89] : memref<32x128x8192xf32, #tpu.memory_space<hbm>> -> memref<1x1x8192xf32, #tpu.memory_space<hbm>>
      %dma_start3A_91 = tpu.memref_squeeze %dma_start3A_90 : memref<1x1x8192xf32, #tpu.memory_space<hbm>> -> memref<8192xf32, #tpu.memory_space<hbm>>
      tpu.enqueue_dma source(%arg12 : memref<8192xf32, #tpu.memory_space<vmem>>) target(%dma_start3A_91 : memref<8192xf32, #tpu.memory_space<hbm>>) target_semaphore(%arg18 : memref<!tpu.dma_semaphore, #tpu.memory_space<semaphore_mem>>)
      %add3A_92 = arith.constant 1 : i32
      %add3A_93 = arith.addi %mul3A_50, %add3A_92 : i32
      %dma_start3A_94 = arith.constant 0 : i32
      %dma_start3A_95 = tpu.memref_slice %arg4[%add3A, %add3A_93, %dma_start3A_94] : memref<32x128x8192xf32, #tpu.memory_space<hbm>> -> memref<1x1x8192xf32, #tpu.memory_space<hbm>>
      %dma_start3A_96 = tpu.memref_squeeze %dma_start3A_95 : memref<1x1x8192xf32, #tpu.memory_space<hbm>> -> memref<8192xf32, #tpu.memory_space<hbm>>
      %dma_start3A_97 = arith.constant 0 : i32
      %dma_start3A_98 = tpu.memref_slice %arg4[%add3A, %add3A_93, %dma_start3A_97] : memref<32x128x8192xf32, #tpu.memory_space<hbm>> -> memref<1x1x8192xf32, #tpu.memory_space<hbm>>
      %dma_start3A_99 = tpu.memref_squeeze %dma_start3A_98 : memref<1x1x8192xf32, #tpu.memory_space<hbm>> -> memref<8192xf32, #tpu.memory_space<hbm>>
      tpu.enqueue_dma source(%arg13 : memref<8192xf32, #tpu.memory_space<vmem>>) target(%dma_start3A_99 : memref<8192xf32, #tpu.memory_space<hbm>>) target_semaphore(%arg18 : memref<!tpu.dma_semaphore, #tpu.memory_space<semaphore_mem>>)
      %lt3A = arith.constant 31 : i32
      %lt3A_100 = arith.cmpi slt, %scan3A_48, %lt3A : i32
      %convert_element_type3A_101 = arith.extui %lt3A_100 : i1 to i32
      %cond3A_102 = arith.constant 0 : i32
      %cond3A_103 = arith.cmpi ne, %convert_element_type3A_101, %cond3A_102 : i32
      scf.if %cond3A_103 {
        %add3A_144 = arith.constant 4 : i32
        %add3A_145 = arith.addi %mul3A_50, %add3A_144 : i32
        %dma_start3A_146 = arith.constant 0 : i32
        %dma_start3A_147 = tpu.memref_slice %arg2[%add3A, %add3A_145, %dma_start3A_146] : memref<32x128x8192xf32, #tpu.memory_space<hbm>> -> memref<1x1x8192xf32, #tpu.memory_space<hbm>>
        %dma_start3A_148 = tpu.memref_squeeze %dma_start3A_147 : memref<1x1x8192xf32, #tpu.memory_space<hbm>> -> memref<8192xf32, #tpu.memory_space<hbm>>
        %dma_start3A_149 = arith.constant 0 : i32
        %dma_start3A_150 = tpu.memref_slice %arg2[%add3A, %add3A_145, %dma_start3A_149] : memref<32x128x8192xf32, #tpu.memory_space<hbm>> -> memref<1x1x8192xf32, #tpu.memory_space<hbm>>
        %dma_start3A_151 = tpu.memref_squeeze %dma_start3A_150 : memref<1x1x8192xf32, #tpu.memory_space<hbm>> -> memref<8192xf32, #tpu.memory_space<hbm>>
        tpu.enqueue_dma source(%dma_start3A_151 : memref<8192xf32, #tpu.memory_space<hbm>>) target(%arg8 : memref<8192xf32, #tpu.memory_space<vmem>>) target_semaphore(%arg16 : memref<!tpu.dma_semaphore, #tpu.memory_space<semaphore_mem>>)
        %add3A_152 = arith.constant 5 : i32
        %add3A_153 = arith.addi %mul3A_50, %add3A_152 : i32
        %dma_start3A_154 = arith.constant 0 : i32
        %dma_start3A_155 = tpu.memref_slice %arg2[%add3A, %add3A_153, %dma_start3A_154] : memref<32x128x8192xf32, #tpu.memory_space<hbm>> -> memref<1x1x8192xf32, #tpu.memory_space<hbm>>
        %dma_start3A_156 = tpu.memref_squeeze %dma_start3A_155 : memref<1x1x8192xf32, #tpu.memory_space<hbm>> -> memref<8192xf32, #tpu.memory_space<hbm>>
        %dma_start3A_157 = arith.constant 0 : i32
        %dma_start3A_158 = tpu.memref_slice %arg2[%add3A, %add3A_153, %dma_start3A_157] : memref<32x128x8192xf32, #tpu.memory_space<hbm>> -> memref<1x1x8192xf32, #tpu.memory_space<hbm>>
        %dma_start3A_159 = tpu.memref_squeeze %dma_start3A_158 : memref<1x1x8192xf32, #tpu.memory_space<hbm>> -> memref<8192xf32, #tpu.memory_space<hbm>>
        tpu.enqueue_dma source(%dma_start3A_159 : memref<8192xf32, #tpu.memory_space<hbm>>) target(%arg9 : memref<8192xf32, #tpu.memory_space<vmem>>) target_semaphore(%arg16 : memref<!tpu.dma_semaphore, #tpu.memory_space<semaphore_mem>>)
      } else {
      }
      %add3A_104 = arith.constant 2 : i32
      %add3A_105 = arith.addi %mul3A_50, %add3A_104 : i32
      %dma_wait3A_106 = arith.constant 0 : i32
      %dma_wait3A_107 = tpu.memref_slice %arg2[%add3A, %add3A_105, %dma_wait3A_106] : memref<32x128x8192xf32, #tpu.memory_space<hbm>> -> memref<1x1x8192xf32, #tpu.memory_space<hbm>>
      %dma_wait3A_108 = tpu.memref_squeeze %dma_wait3A_107 : memref<1x1x8192xf32, #tpu.memory_space<hbm>> -> memref<8192xf32, #tpu.memory_space<hbm>>
      %dma_wait3A_109 = arith.constant 0 : i32
      %dma_wait3A_110 = tpu.memref_slice %arg2[%add3A, %add3A_105, %dma_wait3A_109] : memref<32x128x8192xf32, #tpu.memory_space<hbm>> -> memref<1x1x8192xf32, #tpu.memory_space<hbm>>
      %dma_wait3A_111 = tpu.memref_squeeze %dma_wait3A_110 : memref<1x1x8192xf32, #tpu.memory_space<hbm>> -> memref<8192xf32, #tpu.memory_space<hbm>>
      tpu.wait_dma2 semaphore(%arg17 : memref<!tpu.dma_semaphore, #tpu.memory_space<semaphore_mem>>) src(%dma_wait3A_111 : memref<8192xf32, #tpu.memory_space<hbm>>) dst(%arg10 : memref<8192xf32, #tpu.memory_space<vmem>>)
      %add3A_112 = arith.constant 3 : i32
      %add3A_113 = arith.addi %mul3A_50, %add3A_112 : i32
      %dma_wait3A_114 = arith.constant 0 : i32
      %dma_wait3A_115 = tpu.memref_slice %arg2[%add3A, %add3A_113, %dma_wait3A_114] : memref<32x128x8192xf32, #tpu.memory_space<hbm>> -> memref<1x1x8192xf32, #tpu.memory_space<hbm>>
      %dma_wait3A_116 = tpu.memref_squeeze %dma_wait3A_115 : memref<1x1x8192xf32, #tpu.memory_space<hbm>> -> memref<8192xf32, #tpu.memory_space<hbm>>
      %dma_wait3A_117 = arith.constant 0 : i32
      %dma_wait3A_118 = tpu.memref_slice %arg2[%add3A, %add3A_113, %dma_wait3A_117] : memref<32x128x8192xf32, #tpu.memory_space<hbm>> -> memref<1x1x8192xf32, #tpu.memory_space<hbm>>
      %dma_wait3A_119 = tpu.memref_squeeze %dma_wait3A_118 : memref<1x1x8192xf32, #tpu.memory_space<hbm>> -> memref<8192xf32, #tpu.memory_space<hbm>>
      tpu.wait_dma2 semaphore(%arg17 : memref<!tpu.dma_semaphore, #tpu.memory_space<semaphore_mem>>) src(%dma_wait3A_119 : memref<8192xf32, #tpu.memory_space<hbm>>) dst(%arg11 : memref<8192xf32, #tpu.memory_space<vmem>>)
      %gt3A_120 = arith.constant 0 : i32
      %gt3A_121 = arith.cmpi sgt, %scan3A_48, %gt3A_120 : i32
      %convert_element_type3A_122 = arith.extui %gt3A_121 : i1 to i32
      %cond3A_123 = arith.constant 0 : i32
      %cond3A_124 = arith.cmpi ne, %convert_element_type3A_122, %cond3A_123 : i32
      scf.if %cond3A_124 {
        %dma_wait3A_144 = arith.constant 0 : i32
        %dma_wait3A_145 = tpu.memref_slice %arg4[%add3A, %mul3A_50, %dma_wait3A_144] : memref<32x128x8192xf32, #tpu.memory_space<hbm>> -> memref<1x1x8192xf32, #tpu.memory_space<hbm>>
        %dma_wait3A_146 = tpu.memref_squeeze %dma_wait3A_145 : memref<1x1x8192xf32, #tpu.memory_space<hbm>> -> memref<8192xf32, #tpu.memory_space<hbm>>
        %dma_wait3A_147 = arith.constant 0 : i32
        %dma_wait3A_148 = tpu.memref_slice %arg4[%add3A, %mul3A_50, %dma_wait3A_147] : memref<32x128x8192xf32, #tpu.memory_space<hbm>> -> memref<1x1x8192xf32, #tpu.memory_space<hbm>>
        %dma_wait3A_149 = tpu.memref_squeeze %dma_wait3A_148 : memref<1x1x8192xf32, #tpu.memory_space<hbm>> -> memref<8192xf32, #tpu.memory_space<hbm>>
        tpu.wait_dma2 semaphore(%arg19 : memref<!tpu.dma_semaphore, #tpu.memory_space<semaphore_mem>>) src(%arg14 : memref<8192xf32, #tpu.memory_space<vmem>>) dst(%dma_wait3A_149 : memref<8192xf32, #tpu.memory_space<hbm>>)
        %dma_wait3A_150 = arith.constant 0 : i32
        %dma_wait3A_151 = tpu.memref_slice %arg4[%add3A, %mul3A_50, %dma_wait3A_150] : memref<32x128x8192xf32, #tpu.memory_space<hbm>> -> memref<1x1x8192xf32, #tpu.memory_space<hbm>>
        %dma_wait3A_152 = tpu.memref_squeeze %dma_wait3A_151 : memref<1x1x8192xf32, #tpu.memory_space<hbm>> -> memref<8192xf32, #tpu.memory_space<hbm>>
        %dma_wait3A_153 = arith.constant 0 : i32
        %dma_wait3A_154 = tpu.memref_slice %arg4[%add3A, %mul3A_50, %dma_wait3A_153] : memref<32x128x8192xf32, #tpu.memory_space<hbm>> -> memref<1x1x8192xf32, #tpu.memory_space<hbm>>
        %dma_wait3A_155 = tpu.memref_squeeze %dma_wait3A_154 : memref<1x1x8192xf32, #tpu.memory_space<hbm>> -> memref<8192xf32, #tpu.memory_space<hbm>>
        tpu.wait_dma2 semaphore(%arg19 : memref<!tpu.dma_semaphore, #tpu.memory_space<semaphore_mem>>) src(%arg15 : memref<8192xf32, #tpu.memory_space<vmem>>) dst(%dma_wait3A_155 : memref<8192xf32, #tpu.memory_space<hbm>>)
      } else {
      }
      %parallel_loop3A_125 = arith.constant 0 : i32
      %parallel_loop3A_126 = arith.constant 512 : i32
      %parallel_loop3A_127 = arith.constant 1 : i32
      scf.for %parallel_loop3A_144 = %parallel_loop3A_125 to %parallel_loop3A_126 step %parallel_loop3A_127  : i32 {
        %parallel_loop3A_145 = arith.constant 16 : i32
        %parallel_loop3A_146 = arith.muli %parallel_loop3A_144, %parallel_loop3A_145 : i32
        %parallel_loop3A_147 = arith.index_cast %parallel_loop3A_146 : i32 to index
        %parallel_loop3A_148 = tpu.vector_load %arg6[%parallel_loop3A_147] {strides = array<i32>} : memref<8192xi32, #tpu.memory_space<vmem>>, vector<16xi32>,
        %parallel_loop3A_149 = arith.index_cast %parallel_loop3A_146 : i32 to index
        %parallel_loop3A_150 = tpu.vector_load %arg7[%parallel_loop3A_149] {strides = array<i32>} : memref<8192xf32, #tpu.memory_space<vmem>>, vector<16xf32>,
        %parallel_loop3A_151 = arith.constant 1 : i32
        %parallel_loop3A_152 = vector.broadcast %parallel_loop3A_151 : i32 to vector<16xi32>
        %parallel_loop3A_153 = arith.addi %parallel_loop3A_148, %parallel_loop3A_152 : vector<16xi32>
        %parallel_loop3A_154 = arith.constant 8191 : i32
        %parallel_loop3A_155 = vector.broadcast %parallel_loop3A_154 : i32 to vector<16xi32>
        %parallel_loop3A_156 = arith.minsi %parallel_loop3A_153, %parallel_loop3A_155 : vector<16xi32>
        %parallel_loop3A_157 = tpu.vector_load_idx %arg10[%parallel_loop3A_148] : memref<8192xf32, #tpu.memory_space<vmem>>[vector<16xi32>], vector<16xf32>,
        %parallel_loop3A_158 = tpu.vector_load_idx %arg10[%parallel_loop3A_156] : memref<8192xf32, #tpu.memory_space<vmem>>[vector<16xi32>], vector<16xf32>,
        %parallel_loop3A_159 = arith.subf %parallel_loop3A_158, %parallel_loop3A_157 : vector<16xf32>
        %parallel_loop3A_160 = arith.mulf %parallel_loop3A_150, %parallel_loop3A_159 : vector<16xf32>
        %parallel_loop3A_161 = arith.addf %parallel_loop3A_157, %parallel_loop3A_160 : vector<16xf32>
        %parallel_loop3A_162 = arith.index_cast %parallel_loop3A_146 : i32 to index
        %parallel_loop3A_163 = tpu.vector_load %arg14[%parallel_loop3A_162] {strides = array<i32>} : memref<8192xf32, #tpu.memory_space<vmem>>, vector<16xf32>,
        tpu.vector_store %arg14[%parallel_loop3A_162], %parallel_loop3A_161 {strides = array<i32>} : memref<8192xf32, #tpu.memory_space<vmem>>, vector<16xf32>,
        %parallel_loop3A_164 = tpu.vector_load_idx %arg11[%parallel_loop3A_148] : memref<8192xf32, #tpu.memory_space<vmem>>[vector<16xi32>], vector<16xf32>,
        %parallel_loop3A_165 = tpu.vector_load_idx %arg11[%parallel_loop3A_156] : memref<8192xf32, #tpu.memory_space<vmem>>[vector<16xi32>], vector<16xf32>,
        %parallel_loop3A_166 = arith.subf %parallel_loop3A_165, %parallel_loop3A_164 : vector<16xf32>
        %parallel_loop3A_167 = arith.mulf %parallel_loop3A_150, %parallel_loop3A_166 : vector<16xf32>
        %parallel_loop3A_168 = arith.addf %parallel_loop3A_164, %parallel_loop3A_167 : vector<16xf32>
        %parallel_loop3A_169 = arith.index_cast %parallel_loop3A_146 : i32 to index
        %parallel_loop3A_170 = tpu.vector_load %arg15[%parallel_loop3A_169] {strides = array<i32>} : memref<8192xf32, #tpu.memory_space<vmem>>, vector<16xf32>,
        tpu.vector_store %arg15[%parallel_loop3A_169], %parallel_loop3A_168 {strides = array<i32>} : memref<8192xf32, #tpu.memory_space<vmem>>, vector<16xf32>,
      } {sc.loop_unroll_factor = 4 : i64, sc.parallel_access}
      %add3A_128 = arith.constant 2 : i32
      %add3A_129 = arith.addi %mul3A_50, %add3A_128 : i32
      %dma_start3A_130 = arith.constant 0 : i32
      %dma_start3A_131 = tpu.memref_slice %arg4[%add3A, %add3A_129, %dma_start3A_130] : memref<32x128x8192xf32, #tpu.memory_space<hbm>> -> memref<1x1x8192xf32, #tpu.memory_space<hbm>>
      %dma_start3A_132 = tpu.memref_squeeze %dma_start3A_131 : memref<1x1x8192xf32, #tpu.memory_space<hbm>> -> memref<8192xf32, #tpu.memory_space<hbm>>
      %dma_start3A_133 = arith.constant 0 : i32
      %dma_start3A_134 = tpu.memref_slice %arg4[%add3A, %add3A_129, %dma_start3A_133] : memref<32x128x8192xf32, #tpu.memory_space<hbm>> -> memref<1x1x8192xf32, #tpu.memory_space<hbm>>
      %dma_start3A_135 = tpu.memref_squeeze %dma_start3A_134 : memref<1x1x8192xf32, #tpu.memory_space<hbm>> -> memref<8192xf32, #tpu.memory_space<hbm>>
      tpu.enqueue_dma source(%arg14 : memref<8192xf32, #tpu.memory_space<vmem>>) target(%dma_start3A_135 : memref<8192xf32, #tpu.memory_space<hbm>>) target_semaphore(%arg19 : memref<!tpu.dma_semaphore, #tpu.memory_space<semaphore_mem>>)
      %add3A_136 = arith.constant 3 : i32
      %add3A_137 = arith.addi %mul3A_50, %add3A_136 : i32
      %dma_start3A_138 = arith.constant 0 : i32
      %dma_start3A_139 = tpu.memref_slice %arg4[%add3A, %add3A_137, %dma_start3A_138] : memref<32x128x8192xf32, #tpu.memory_space<hbm>> -> memref<1x1x8192xf32, #tpu.memory_space<hbm>>
      %dma_start3A_140 = tpu.memref_squeeze %dma_start3A_139 : memref<1x1x8192xf32, #tpu.memory_space<hbm>> -> memref<8192xf32, #tpu.memory_space<hbm>>
      %dma_start3A_141 = arith.constant 0 : i32
      %dma_start3A_142 = tpu.memref_slice %arg4[%add3A, %add3A_137, %dma_start3A_141] : memref<32x128x8192xf32, #tpu.memory_space<hbm>> -> memref<1x1x8192xf32, #tpu.memory_space<hbm>>
      %dma_start3A_143 = tpu.memref_squeeze %dma_start3A_142 : memref<1x1x8192xf32, #tpu.memory_space<hbm>> -> memref<8192xf32, #tpu.memory_space<hbm>>
      tpu.enqueue_dma source(%arg15 : memref<8192xf32, #tpu.memory_space<vmem>>) target(%dma_start3A_143 : memref<8192xf32, #tpu.memory_space<hbm>>) target_semaphore(%arg19 : memref<!tpu.dma_semaphore, #tpu.memory_space<semaphore_mem>>)
    }
    %scan3A_20 = arith.constant 32 : i32
    %dma_wait3A = arith.constant 0 : i32
    %dma_wait3A_21 = arith.constant 0 : i32
    %dma_wait3A_22 = tpu.memref_slice %arg4[%add3A, %dma_wait3A, %dma_wait3A_21] : memref<32x128x8192xf32, #tpu.memory_space<hbm>> -> memref<1x1x8192xf32, #tpu.memory_space<hbm>>
    %dma_wait3A_23 = tpu.memref_squeeze %dma_wait3A_22 : memref<1x1x8192xf32, #tpu.memory_space<hbm>> -> memref<8192xf32, #tpu.memory_space<hbm>>
    %dma_wait3A_24 = arith.constant 0 : i32
    %dma_wait3A_25 = tpu.memref_slice %arg4[%add3A, %dma_wait3A, %dma_wait3A_24] : memref<32x128x8192xf32, #tpu.memory_space<hbm>> -> memref<1x1x8192xf32, #tpu.memory_space<hbm>>
    %dma_wait3A_26 = tpu.memref_squeeze %dma_wait3A_25 : memref<1x1x8192xf32, #tpu.memory_space<hbm>> -> memref<8192xf32, #tpu.memory_space<hbm>>
    tpu.wait_dma2 semaphore(%arg18 : memref<!tpu.dma_semaphore, #tpu.memory_space<semaphore_mem>>) src(%arg12 : memref<8192xf32, #tpu.memory_space<vmem>>) dst(%dma_wait3A_26 : memref<8192xf32, #tpu.memory_space<hbm>>)
    %dma_wait3A_27 = arith.constant 1 : i32
    %dma_wait3A_28 = arith.constant 0 : i32
    %dma_wait3A_29 = tpu.memref_slice %arg4[%add3A, %dma_wait3A_27, %dma_wait3A_28] : memref<32x128x8192xf32, #tpu.memory_space<hbm>> -> memref<1x1x8192xf32, #tpu.memory_space<hbm>>
    %dma_wait3A_30 = tpu.memref_squeeze %dma_wait3A_29 : memref<1x1x8192xf32, #tpu.memory_space<hbm>> -> memref<8192xf32, #tpu.memory_space<hbm>>
    %dma_wait3A_31 = arith.constant 0 : i32
    %dma_wait3A_32 = tpu.memref_slice %arg4[%add3A, %dma_wait3A_27, %dma_wait3A_31] : memref<32x128x8192xf32, #tpu.memory_space<hbm>> -> memref<1x1x8192xf32, #tpu.memory_space<hbm>>
    %dma_wait3A_33 = tpu.memref_squeeze %dma_wait3A_32 : memref<1x1x8192xf32, #tpu.memory_space<hbm>> -> memref<8192xf32, #tpu.memory_space<hbm>>
    tpu.wait_dma2 semaphore(%arg18 : memref<!tpu.dma_semaphore, #tpu.memory_space<semaphore_mem>>) src(%arg13 : memref<8192xf32, #tpu.memory_space<vmem>>) dst(%dma_wait3A_33 : memref<8192xf32, #tpu.memory_space<hbm>>)
    %dma_wait3A_34 = arith.constant 2 : i32
    %dma_wait3A_35 = arith.constant 0 : i32
    %dma_wait3A_36 = tpu.memref_slice %arg4[%add3A, %dma_wait3A_34, %dma_wait3A_35] : memref<32x128x8192xf32, #tpu.memory_space<hbm>> -> memref<1x1x8192xf32, #tpu.memory_space<hbm>>
    %dma_wait3A_37 = tpu.memref_squeeze %dma_wait3A_36 : memref<1x1x8192xf32, #tpu.memory_space<hbm>> -> memref<8192xf32, #tpu.memory_space<hbm>>
    %dma_wait3A_38 = arith.constant 0 : i32
    %dma_wait3A_39 = tpu.memref_slice %arg4[%add3A, %dma_wait3A_34, %dma_wait3A_38] : memref<32x128x8192xf32, #tpu.memory_space<hbm>> -> memref<1x1x8192xf32, #tpu.memory_space<hbm>>
    %dma_wait3A_40 = tpu.memref_squeeze %dma_wait3A_39 : memref<1x1x8192xf32, #tpu.memory_space<hbm>> -> memref<8192xf32, #tpu.memory_space<hbm>>
    tpu.wait_dma2 semaphore(%arg19 : memref<!tpu.dma_semaphore, #tpu.memory_space<semaphore_mem>>) src(%arg14 : memref<8192xf32, #tpu.memory_space<vmem>>) dst(%dma_wait3A_40 : memref<8192xf32, #tpu.memory_space<hbm>>)
    %dma_wait3A_41 = arith.constant 3 : i32
    %dma_wait3A_42 = arith.constant 0 : i32
    %dma_wait3A_43 = tpu.memref_slice %arg4[%add3A, %dma_wait3A_41, %dma_wait3A_42] : memref<32x128x8192xf32, #tpu.memory_space<hbm>> -> memref<1x1x8192xf32, #tpu.memory_space<hbm>>
    %dma_wait3A_44 = tpu.memref_squeeze %dma_wait3A_43 : memref<1x1x8192xf32, #tpu.memory_space<hbm>> -> memref<8192xf32, #tpu.memory_space<hbm>>
    %dma_wait3A_45 = arith.constant 0 : i32
    %dma_wait3A_46 = tpu.memref_slice %arg4[%add3A, %dma_wait3A_41, %dma_wait3A_45] : memref<32x128x8192xf32, #tpu.memory_space<hbm>> -> memref<1x1x8192xf32, #tpu.memory_space<hbm>>
    %dma_wait3A_47 = tpu.memref_squeeze %dma_wait3A_46 : memref<1x1x8192xf32, #tpu.memory_space<hbm>> -> memref<8192xf32, #tpu.memory_space<hbm>>
    tpu.wait_dma2 semaphore(%arg19 : memref<!tpu.dma_semaphore, #tpu.memory_space<semaphore_mem>>) src(%arg15 : memref<8192xf32, #tpu.memory_space<vmem>>) dst(%dma_wait3A_47 : memref<8192xf32, #tpu.memory_space<hbm>>)
    return
  }
}

</mosaic_0001>

<sc_bundles>
// kernel: kernel.3.cloned.1.call-start
scs
__scs_entry_jumppad:
0x0: {  	(pc) =	sbr.rel $0x88, $3  }
0x1: {  	(tag) =	ssettag $0x0;
	lr =	simm.s32 $0x1  }
0x2: {  	[smem:$0x3F9F] =	sst lr;
	_ =	strace $0xD0000000  }
0x3: {  	_ = 	snop  }
0x4: {  	_ = 	snop  }
0x5: {  	_ = 	snop  }
0x6: {  	_ = 	snop  }
0x7: {  	_ = 	snop  }
__scs_overlays_trampoline_lowered:
0x8: {  	[smem:$0x3FAE] =	sst s0  }
0x9: {  	[smem:$0x3FAF] =	sst s1  }
0xa: {  	[smem:$0x3FB0] =	sst s2  }
0xb: {  	[smem:$0x3FB1] =	sst s3  }
0xc: {  	[smem:$0x3FB2] =	sst s4  }
0xd: {  	[smem:$0x3FB3] =	sst s5  }
0xe: {  	[smem:$0x3FB4] =	sst s6  }
0xf: {  	[smem:$0x3FB5] =	sst s7  }
0x10: {  	[smem:$0x3FB6] =	sst s8  }
0x11: {  	[smem:$0x3FB7] =	sst s9;
	s0 =	simm.s32 @!p0 $0x0  }
0x12: {  	s1 =	sld [smem:$0x3F9D];
	s0 =	simm.s32 @p0 $0x1  }
0x13: {  	[smem:$0x3FB8] =	sst s0;
	s0 =	simm.s32 @!p1 $0x0  }
0x14: {  	s2 =	sld [smem:$0x3F9C];
	s0 =	simm.s32 @p1 $0x1  }
0x15: {  	[smem:$0x3FB9] =	sst s0;
	s0 =	simm.s32 @!p2 $0x0  }
0x16: {  	s3 =	sld [smem:$0x3FDB];
	s0 =	simm.s32 @p2 $0x1  }
0x17: {  	s4 =	simm.s32 $0x1BF5;
	[smem:$0x3FBB] =	sst s0  }
0x18: {  	s0 =	sld [smem:$0x3F9E];
	_ =	swait.ge [sflag:s4], $0x0  }
0x19: {  	s7 =	sld [smem:$0x3F9F]  }
0x1a: {  	s8 =	sadd.s32 $0xFFFFE003, lr  }
0x1b: {  	s9 =	sadd.s32 $0xFFFFFEF7, lr;
	s5 =	simm.s32 $0xFFFFFFFF;
	p2 =	slt.u32 s8, $0xFFFFF086  }
0x1c: {  	p1 =	slt.u32 s9, $0xF7A;
	s5 =	simm.s32 @!p2 $0x0  }
0x1d: {  	s5 =	simm.s32 @p1 $0x1;
	p0 =	seq.s32 s7, s2  }
0x1e: {  	s7 =	smul.u32 @!p0 $0xF7A, s2;
	p2 =	seq.s32 @!p0 s5, $0x0  }
0x1f: {  	s9 =	smul.u32 $0xF7A, s1;
	s8 =	simm.s32 @!p0 $0x1BF5;
	p2 =	por !p2, p0  }
0x20: {  	[sflag:s8] =	ssyncset.s32 @!p0 $0xFFFFF086;
	s6 =	sadd.s32 @!p0 s3, s7;
	s7 =	simm.s32 @!p0 $0x108  }
0x21: {  	s3 =	sadd.s32 s3, s9;
	s6 =	sadd.s32 @!p0 $0x88, s6;
	s7 =	simm.s32 @p2 $0x1082  }
0x22: {  	[simem:s7], [sflag:s8] =	dma.local @!p0 [hbm:s6], $0xF7A  }
0x23: {  	s9 =	sor.u32 $0xD0000000, s2;
	s6 =	simm.s32 $0x108;
	_ =	swait.ge @!p0 [sflag:s8], $0x0  }
0x24: {  	s3 =	sadd.s32 $0x88, s3;
	s6 =	simm.s32 @!p1 $0x1082;
	[sflag:s4] =	ssyncset.s32 $0xFFFFF086  }
0x25: {  	[simem:s6], [sflag:s4] =	dma.local [hbm:s3], $0xF7A  }
0x26: {  	[smem:$0x3F9F] =	sst s1;
	(tag) =	ssettag s2;
	_ =	strace s9  }
0x27: {  	s1 =	sld [smem:$0x3FAF]  }
0x28: {  	s2 =	sld [smem:$0x3FB0]  }
0x29: {  	s4 =	sld [smem:$0x3FB2]  }
0x2a: {  	p0 =	seq.s32 s5, $0x0;
	s5 =	sld [smem:$0x3FB3]  }
0x2b: {  	s6 =	sld [smem:$0x3FB4]  }
0x2c: {  	s7 =	sld [smem:$0x3FB5]  }
0x2d: {  	s3 =	simm.s32 $0x108;
	s8 =	sld [smem:$0x3FB6]  }
0x2e: {  	s3 =	simm.s32 @!p0 $0x1082;
	s9 =	sld [smem:$0x3FB7]  }
0x2f: {  	lr =	sadd.s32 s0, s3;
	s0 =	sld [smem:$0x3FAE]  }
0x30: {  	s3 =	sld [smem:$0x3FB1]  }
0x31: {  	[smem:$0x3FBA] =	sst s10  }
0x32: {  	s10 =	sld [smem:$0x3FB8];
	_ =	sdelay $0x3  }
0x33: {  	p0 =	seq.s32 s10, $0x1;
	s10 =	sld [smem:$0x3FBA];
	_ =	sdelay $0x3  }
0x34: {  	[smem:$0x3FBA] =	sst s10  }
0x35: {  	s10 =	sld [smem:$0x3FB9];
	_ =	sdelay $0x3  }
0x36: {  	p1 =	seq.s32 s10, $0x1;
	s10 =	sld [smem:$0x3FBA];
	_ =	sdelay $0x3  }
0x37: {  	[smem:$0x3FBA] =	sst s10  }
0x38: {  	s10 =	sld [smem:$0x3FBB]  }
0x39: {  	_ = 	snop;
	(pc) =	sbr.ind lr, $3  }
0x3a: {  	_ = 	snop  }
0x3b: {  	_ = 	snop  }
0x3c: {  	p2 =	seq.s32 s10, $0x1;
	s10 =	sld [smem:$0x3FBA]  }
0x3d: {  	_ =	shalt  }
0x3e: {  	_ =	shalt  }
0x3f: {  	_ =	shalt  }
0x40: {  	_ =	shalt  }
0x41: {  	_ =	shalt  }
0x42: {  	_ =	shalt  }
0x43: {  	_ =	shalt  }
0x44: {  	_ =	shalt  }
0x45: {  	_ =	shalt  }
0x46: {  	_ =	shalt  }
0x47: {  	_ =	shalt  }
0x48: {  	_ =	shalt  }
0x49: {  	_ =	shalt  }
0x4a: {  	_ =	shalt  }
0x4b: {  	_ =	shalt  }
0x4c: {  	_ =	shalt  }
0x4d: {  	_ =	shalt  }
0x4e: {  	_ =	shalt  }
0x4f: {  	_ =	shalt  }
0x50: {  	_ =	shalt  }
0x51: {  	_ =	shalt  }
0x52: {  	_ =	shalt  }
0x53: {  	_ =	shalt  }
0x54: {  	_ =	shalt  }
0x55: {  	_ =	shalt  }
0x56: {  	_ =	shalt  }
0x57: {  	_ =	shalt  }
0x58: {  	_ =	shalt  }
0x59: {  	_ =	shalt  }
0x5a: {  	_ =	shalt  }
0x5b: {  	_ =	shalt  }
0x5c: {  	_ =	shalt  }
0x5d: {  	_ =	shalt  }
0x5e: {  	_ =	shalt  }
0x5f: {  	_ =	shalt  }
0x60: {  	_ =	shalt  }
0x61: {  	_ =	shalt  }
0x62: {  	_ =	shalt  }
0x63: {  	_ =	shalt  }
0x64: {  	_ =	shalt  }
0x65: {  	_ =	shalt  }
0x66: {  	_ =	shalt  }
0x67: {  	_ =	shalt  }
0x68: {  	_ =	shalt  }
0x69: {  	_ =	shalt  }
0x6a: {  	_ =	shalt  }
0x6b: {  	_ =	shalt  }
0x6c: {  	_ =	shalt  }
0x6d: {  	_ =	shalt  }
0x6e: {  	_ =	shalt  }
0x6f: {  	_ =	shalt  }
0x70: {  	_ =	shalt  }
0x71: {  	_ =	shalt  }
0x72: {  	_ =	shalt  }
0x73: {  	_ =	shalt  }
0x74: {  	_ =	shalt  }
0x75: {  	_ =	shalt  }
0x76: {  	_ =	shalt  }
0x77: {  	_ =	shalt  }
0x78: {  	_ =	shalt  }
0x79: {  	_ =	shalt  }
0x7a: {  	_ =	shalt  }
0x7b: {  	_ =	shalt  }
0x7c: {  	_ =	shalt  }
0x7d: {  	_ =	shalt  }
0x7e: {  	_ =	shalt  }
0x7f: {  	_ =	shalt  }
0x80: {  	_ =	shalt  }
0x81: {  	_ =	shalt  }
0x82: {  	_ =	shalt  }
0x83: {  	_ =	shalt  }
0x84: {  	_ =	shalt  }
0x85: {  	_ =	shalt  }
0x86: {  	_ =	shalt  }
0x87: {  	_ =	shalt  }
.Lfunc_end0:
.L_simem_size_0:
called_computation_lowered:
.L_overlay_start_0:
0x88: {  	s2 =	sld [smem:$0x3FD9]  }
0x89: {  	s3 =	sld [smem:$0x3FFE];
	_ =	sdelay $0x1  }
0x8a: {  	s1 =	srdreg.scid  }
0x8b: {  	s0 =	sand.u32 $0x1, s1  }
0x8c: {  	s18 =	sshll.u32 s0, $0xA;
	s2 =	sadd.s32 s3, s2  }
0x8d: {  	s2 =	sadd.s32 s2, s18  }
0x8e: {  	[smem:$0x3FC6] =	sst s2  }
0x8f: {  	_ = 	snop  }
0x90: {  	s2 =	sld [smem:$0x3FC9]  }
0x91: {  	s19 =	sld [smem:$0x3FC8]  }
0x92: {  	s4 =	sld [smem:$0x3FD0];
	(tm) =	ssettm $0x1  }
0x93: {  	s5 =	sld [smem:$0x3FFB];
	_ =	sdelay $0x3  }
0x94: {  	_ =	strace s5  }
0x95: {  	s5 =	sld [smem:$0x3FFC];
	_ =	sdelay $0x3  }
0x96: {  	_ =	strace s5  }
0x97: {  	s5 =	sld [smem:$0x3FFD];
	_ =	sdelay $0x3  }
0x98: {  	_ =	strace s5  }
0x99: {  	_ =	strace $0x8FFFFFFF  }
0x9a: {  	s20 =	sld [smem:$0x3FDB];
	_ =	sdelay $0x1  }
0x9b: {  	s6 =	simm.s32 $_scs_section_size  }
0x9c: {  	s7 =	simm.s32 $_size__tile_overlayer_lowered;
	s8 =	simm.s32 $_tile_overlayer_lowered  }
0x9d: {  	s23 =	simm.s32 $0x1BFF;
	s22 =	sshll.u32 s8, $0x1;
	s5 =	sadd.s32 s6, s20  }
0x9e: {  	s9 =	simm.s32 $0x0;
	s21 =	sshll.u32 s7, $0x1;
	s7 =	sadd.s32 s22, s5  }
0x9f: {  	[timem:s9], [sflag:s23] =	dma.local [hbm:s7], s21  }
0xa0: {  	_ =	swait.ge [sflag:s23], s21  }
0xa1: {  	s6 =	ssub.s32 $0x0, s21;
	[sflag:s23] =	ssyncset.done $0x0  }
0xa2: {  	[sflag:s23] =	ssyncadd.s32 s6;
	_ =	sdelay $0x1  }
0xa3: {  	s24 =	simm.s32 $0x1B8B  }
0xa4: {  	_ =	swait.ge [sflag:s24], $0x1  }
0xa5: {  	[sflag:s24] =	ssyncset.done $0x0  }
0xa6: {  	s25 =	simm.s32 $0x1B8E;
	[sflag:s24] =	ssyncadd.s32 $0xFFFFFFFF  }
0xa7: {  	s26 =	simm.s32 $execute0_lowered;
	[smem:$0x3FD2] =	sst s25  }
0xa8: {  	s6 =	sshll.u32 s26, $0x1;
	_ =	strace $0x80000046;
	[dreg:$0x1] =	wrdreg $0xFFFFFFFF  }
0xa9: {  	s28 =	simm.s32 $_size_execute0_lowered;
	s5 =	sadd.s32 s5, s6;
	[dreg:$0x0] =	wrdreg $0x0  }
0xaa: {  	s6 =	sshll.u32 s28, $0x1;
	[dreg:$0x2] =	wrdreg s5  }
0xab: {  	[dreg:$0x3] =	wrdreg s6  }
0xac: {  	[dreg:$0x4] =	wrdreg $0xC0  }
0xad: {  	_ =	task [dreg:s9], $0x5FFFF  }
0xae: {  	[dreg:$0x1] =	wrdreg $0xFFFFFFFF  }
0xaf: {  	[dreg:$0x0] =	wrdreg $0x60  }
0xb0: {  	[dreg:$0x2] =	wrdreg s2  }
0xb1: {  	[dreg:$0x3] =	wrdreg s19  }
0xb2: {  	[dreg:$0x4] =	wrdreg s4  }
0xb3: {  	[dreg:$0x5] =	wrdreg $0x9  }
0xb4: {  	_ =	task.clear_ibuf [dreg:s9], $0x6FFFF;
	_ =	strace $0x90000046  }
0xb5: {  	s29 =	simm.s32 $0x9;
	_ =	strace $0x80000048  }
0xb6: {  	_ =	swait.ge [sflag:s29], $0x1  }
0xb7: {  	[sflag:s29] =	ssyncadd.s32 $0xFFFFFFFF  }
0xb8: {  	_ =	strace $0x90000048  }
0xb9: {  	_ =	sfence  }
0xba: {  	s30 =	sld [smem:$0x0];
	_ =	sdelay $0x2  }
0xbb: {  	s31 =	sshll.u32 s1, $0xD;
	s1 =	sshrl.u32 s1, $0x2  }
0xbc: {  	s3 =	sand.u32 $0x4000, s31;
	s1 =	sadd.s32 s1, s30  }
0xbd: {  	s0 =	sor.u32 s3, s0;
	s1 =	sshll.u32 s1, $0x11  }
0xbe: {  	s0 =	sor.u32 s1, s0  }
0xbf: {  	s0 =	sadd.s32 $0x8F2B, s0  }
0xc0: {  	[sflag:s0] =	ssyncadd.remote.s32 $0x1  }
0xc1: {  	_ =	sfence.sel $0xFFFF  }
0xc2: {  	[dreg:$0x0] =	wrdreg $0xFFFFFFFF;
	(pc) =	sbr.abs _section_cstart, $3  }
0xc3: {  	[dreg:$0x1] =	wrdreg $0xFFFFFFFF  }
0xc4: {  	_ =	task.clear_ibuf [dreg:s9], $0x2FFFF;
	_ =	strace $0x9FFFFFFF  }
0xc5: {  	(tm) =	ssettm $0x7FFFFFFF  }
tec
execute0_lowered:
.L_overlay_start_1:
0x0: {  	(tag) =	ssettag $0x1  }
0x1: {  	s1 =	rddreg [dreg:$0x0]  }
0x2: {  	s0 =	rddreg [dreg:$0x1]  }
0x3: {  	s2 =	rddreg [dreg:$0x2];
	s4 =	simm.s32 $0x0  }
0x4: {  	s3 =	srdreg.scid;
	s7 =	stileid.u32;
	s10 =	simm.s32 $0x80  }
0x5: {  	s11 =	simm.s32 $0x400;
	s12 =	simm.s32 $0x5;
	s13 =	simm.s32 $0x6000  }
0x6: {  	s14 =	simm.s32 $0x8000;
	s15 =	simm.s32 $0xA000;
	s16 =	simm.s32 $0xC000  }
0x7: {  	s17 =	simm.s32 $0x1;
	s18 =	simm.s32 $0xE000;
	s19 =	simm.s32 $0x10000  }
0x8: {  	s20 =	simm.s32 $0x2;
	s21 =	simm.s32 $0x12000;
	s22 =	simm.s32 $0x14000  }
0x9: {  	s23 =	simm.s32 $0x3;
	s24 =	simm.s32 $0x4;
	[smem:$0x7FF] =	sst s4  }
0xa: {  	s3 =	sand.u32 $0x1, s3;
	s5 =	sshll.u32 s7, $0x1;
	s28 =	sshll.u32 s7, $0xB  }
0xb: {  	s26 =	ssub.s32 $0x2, s3;
	s3 =	sor.u32 s3, s5;
	s5 =	sand.u32 $0x6000, s28  }
0xc: {  	s6 =	sshrl.u32 s26, $0x1;
	s29 =	sshll.u32 s3, $0x4;
	s0 =	sadd.s32 s0, s5  }
0xd: {  	s30 =	sshll.u32 s3, $0x11;
	s4 =	ssub.s32 s26, s6;
	s6 =	sand.u32 $0x70, s29  }
0xe: {  	s25 =	simm.s32 $0x0;
	s7 =	sadd.s32 s1, s30;
	s0 =	sadd.s32 s6, s0  }
0xf: {  	_ =	strace $0x80000047;
	s31 =	sadd.s32 $0x10, s7;
	[dreg:$0x4] =	wrdreg s0  }
0x10: {  	s6 =	sshll.u32 s3, $0x14;
	s9 =	smax.u32 s4, $0x1;
	[dreg:$0x5] =	wrdreg s31  }
.LBB2_1:
0x11: {  	s0 =	simm.s32 $0x0;
	s3 =	rddreg [dreg:$0x4]  }
0x12: {  	[tilespmem:s0], [sflag:$0x5] =	stream.strided.gather [hbm4b:s3+s10], $0x2000, s11, s10, $0x38;
	[tilespmem:$0x16000] =	vst v63  }
0x13: {  	_ =	swait.ge [sflag:s12], $0x2000  }
0x14: {  	[sflag:s12] =	ssyncset.done $0x0  }
0x15: {  	[sflag:s12] =	ssyncadd.s32 $0xFFFFE000  }
0x16: {  	[tilespmem:s13], [sflag:$0x1] =	stream.strided.gather [hbm4b:s7+s10], $0x2000, s11, s10, $0x38;
	[tilespmem:$0x16000] =	vst v63  }
0x17: {  	s30 =	simm.s32 $0x20;
	s29 =	rddreg [dreg:$0x5]  }
0x18: {  	[tilespmem:s14], [sflag:$0x1] =	stream.strided.gather [hbm4b:s29+s10], $0x2000, s11, s10, $0x38;
	[tilespmem:$0x16000] =	vst v63  }
0x19: {  	v0 =	vld [tilespmem:s30+$0x10]  }
0x1a: {  	v1 =	vld [tilespmem:s30+$0x0]  }
0x1b: {  	v2 =	vld [tilespmem:s30+$0xFFFFFFF0]  }
0x1c: {  	s31 =	simm.s32 $0x60;
	v3 =	vld [tilespmem:s30+$0xFFFFFFE0]  }
0x1d: {  	v4 =	vld [tilespmem:s31+$0xFFFFFFF0]  }
0x1e: {  	v5 =	vld [tilespmem:s31+$0x10]  }
0x1f: {  	v7 =	vld [tilespmem:s31+$0xFFFFFFE0]  }
0x20: {  	v9 =	vld [tilespmem:s31+$0x0];
	_ =	sdelay $0x1  }
0x21: {  	v0 =	vadd.f32 $1.000000000e+00, v0;
	v1 =	vadd.f32 $1.000000000e+00, v1  }
0x22: {  	v2 =	vadd.f32 $1.000000000e+00, v2;
	v3 =	vadd.f32 $1.000000000e+00, v3  }
0x23: {  	v4 =	vadd.f32 $1.000000000e+00, v4;
	v12 =	vadd.f32 $1.000000000e+00, v5;
	v0 =	vmul.f32 $4.095500000e+03, v0  }
0x24: {  	v7 =	vadd.f32 $1.000000000e+00, v7;
	v9 =	vadd.f32 $1.000000000e+00, v9;
	v1 =	vmul.f32 $4.095500000e+03, v1  }
0x25: {  	v2 =	vmul.f32 $4.095500000e+03, v2;
	v3 =	vmul.f32 $4.095500000e+03, v3;
	v0 =	vmax.f32 v0, $0.0e+00  }
0x26: {  	v14 =	vmul.f32 $4.095500000e+03, v4;
	v4 =	vmul.f32 $4.095500000e+03, v7;
	v6 =	vmin.f32 v0, $8.191000000e+03  }
0x27: {  	v7 =	vmul.f32 $4.095500000e+03, v9;
	v0 =	vmax.f32 v1, $0.0e+00;
	v8 =	vtrunc.f32 v6  }
0x28: {  	v2 =	vmax.f32 v2, $0.0e+00;
	v1 =	vmin.f32 v0, $8.191000000e+03;
	v8 =	vcvt.f32.s32 v8  }
0x29: {  	v3 =	vmax.f32 v3, $0.0e+00;
	v0 =	vmin.f32 v2, $8.191000000e+03;
	v2 =	vtrunc.f32 v1  }
0x2a: {  	v11 =	vcvt.f32.s32 v2;
	v2 =	vmin.f32 v3, $8.191000000e+03;
	v3 =	vcvt.s32.f32 v8  }
0x2b: {  	s3 =	simm.s32 $0x2020;
	v10 =	vtrunc.f32 v0;
	v13 =	vtrunc.f32 v2  }
0x2c: {  	[tilespmem:s3+$0x10] =	vst v8;
	v8 =	vmul.f32 $4.095500000e+03, v12;
	v15 =	vsub.f32 v6, v3;
	v6 =	vcvt.f32.s32 v13  }
0x2d: {  	s8 =	simm.s32 $0x4;
	s0 =	simm.s32 $0x4020;
	v9 =	vcvt.f32.s32 v10;
	v5 =	vcvt.s32.f32 v11;
	[tilespmem:s3+$0x0] =	vst v11  }
0x2e: {  	s26 =	simm.s32 $0xA0;
	s5 =	simm.s32 $0x2020;
	s4 =	simm.s32 $0x4020;
	v3 =	vmax.f32 v14, $0.0e+00;
	v10 =	vmax.f32 v8, $0.0e+00;
	v8 =	vcvt.s32.f32 v6;
	[tilespmem:s0+$0x10] =	vst v15  }
.LBB2_2:
0x2f: {  	v11 =	vld [tilespmem:s26+$0xFFFFFFF0];
	s8 =	sadd.s32 $0x4, s8;
	v10 =	vmin.f32 v10, $8.191000000e+03;
	[tilespmem:s3+$0xFFFFFFF0] =	vst v9;
	v9 =	vcvt.s32.f32 v9;
	v5 =	vsub.f32 v1, v5;
	s0 =	sadd.s32 $0x40, s0;
	s5 =	sadd.s32 $0x40, s5  }
0x30: {  	v12 =	vld [tilespmem:s26+$0x10];
	p0 =	slt.u32 s8, $0x1FC;
	v1 =	vmax.f32 v7, $0.0e+00;
	v7 =	vtrunc.f32 v10;
	[tilespmem:s3+$0xFFFFFFE0] =	vst v6;
	v2 =	vsub.f32 v2, v8;
	s3 =	smov.u32 s5  }
0x31: {  	v6 =	vld [tilespmem:s26+$0xFFFFFFE0];
	v1 =	vmin.f32 v1, $8.191000000e+03;
	v7 =	vcvt.f32.s32 v7;
	v8 =	vsub.f32 v0, v9;
	[tilespmem:s4+$0x0] =	vst v5  }
0x32: {  	v0 =	vmin.f32 v3, $8.191000000e+03;
	v9 =	vld [tilespmem:s26+$0x0];
	v3 =	vtrunc.f32 v1;
	[tilespmem:s4+$0xFFFFFFE0] =	vst v2  }
0x33: {  	v2 =	vmax.f32 v4, $0.0e+00;
	v13 =	vtrunc.f32 v0;
	v3 =	vcvt.f32.s32 v3;
	[tilespmem:s4+$0xFFFFFFF0] =	vst v8;
	s4 =	smov.u32 s0  }
0x34: {  	v2 =	vmin.f32 v2, $8.191000000e+03;
	v4 =	vadd.f32 $1.000000000e+00, v11;
	[tilespmem:s5+$0x10] =	vst v7;
	v7 =	vcvt.s32.f32 v7  }
.Ltmp0:
0x35: {  	v11 =	vtrunc.f32 v2;
	v8 =	vadd.f32 $1.000000000e+00, v12;
	[tilespmem:s5+$0x0] =	vst v3;
	v5 =	vcvt.s32.f32 v3;
	(pc) =	sbr.rel @p0 .LBB2_2-.Ltmp0, $4  }
0x36: {  	v3 =	vadd.f32 $1.000000000e+00, v6;
	v12 =	vmul.f32 $4.095500000e+03, v4;
	v14 =	vsub.f32 v10, v7  }
0x37: {  	v6 =	vcvt.f32.s32 v11;
	v7 =	vadd.f32 $1.000000000e+00, v9;
	v8 =	vmul.f32 $4.095500000e+03, v8  }
0x38: {  	v9 =	vcvt.f32.s32 v13;
	v4 =	vmul.f32 $4.095500000e+03, v3;
	v3 =	vmax.f32 v12, $0.0e+00  }
0x39: {  	s26 =	sadd.s32 $0x40, s26;
	v7 =	vmul.f32 $4.095500000e+03, v7;
	v10 =	vmax.f32 v8, $0.0e+00;
	v8 =	vcvt.s32.f32 v6;
	[tilespmem:s0+$0x10] =	vst v14  }
0x3a: {  	v10 =	vmin.f32 v10, $8.191000000e+03;
	v51 =	vcvt.s32.f32 v9  }
0x3b: {  	[tilespmem:s3+$0xFFFFFFF0] =	vst v9;
	v1 =	vsub.f32 v1, v5;
	v54 =	vmax.f32 v4, $0.0e+00;
	v3 =	vmin.f32 v3, $8.191000000e+03  }
0x3c: {  	[tilespmem:s3+$0xFFFFFFE0] =	vst v6;
	v52 =	vtrunc.f32 v10;
	v7 =	vmax.f32 v7, $0.0e+00;
	v2 =	vsub.f32 v2, v8  }
0x3d: {  	v58 =	vtrunc.f32 v3;
	v5 =	vcvt.f32.s32 v52;
	v0 =	vsub.f32 v0, v51;
	[tilespmem:s4+$0x0] =	vst v1  }
0x3e: {  	v53 =	vmin.f32 v7, $8.191000000e+03;
	v1 =	vmin.f32 v54, $8.191000000e+03;
	v59 =	vcvt.f32.s32 v58;
	[tilespmem:s4+$0xFFFFFFE0] =	vst v2  }
0x3f: {  	s31 =	sadd.s32 $0x40, s5;
	v55 =	vtrunc.f32 v53;
	v57 =	vtrunc.f32 v1;
	[tilespmem:s4+$0xFFFFFFF0] =	vst v0  }
0x40: {  	v56 =	vcvt.s32.f32 v5;
	v4 =	vcvt.f32.s32 v55;
	[tilespmem:s31+$0x10] =	vst v5  }
0x41: {  	v0 =	vcvt.f32.s32 v57;
	[tilespmem:s31+$0xFFFFFFF0] =	vst v59;
	v61 =	vcvt.s32.f32 v59  }
0x42: {  	v2 =	vsub.f32 v10, v56;
	[tilespmem:s31+$0x0] =	vst v4;
	v4 =	vcvt.s32.f32 v4  }
0x43: {  	s0 =	sadd.s32 $0x40, s0;
	v60 =	vcvt.s32.f32 v0;
	[tilespmem:s31+$0xFFFFFFE0] =	vst v0;
	v63 =	vsub.f32 v3, v61  }
0x44: {  	[tilespmem:s0+$0x10] =	vst v2;
	v4 =	vsub.f32 v53, v4  }
0x45: {  	v62 =	vsub.f32 v1, v60;
	[tilespmem:s0+$0xFFFFFFF0] =	vst v63  }
0x46: {  	[tilespmem:s0+$0x0] =	vst v4  }
0x47: {  	s26 =	simm.s32 $0x0;
	[tilespmem:s0+$0xFFFFFFE0] =	vst v62  }
.LBB2_4:
0x48: {  	s0 =	sshll.u32 s26, $0x9;
	s3 =	sshll.u32 s26, $0xF  }
0x49: {  	s0 =	sand.u32 $0x200, s0;
	s3 =	sand.u32 $0xF0000, s3  }
0x4a: {  	s0 =	sor.u32 s3, s0  }
0x4b: {  	s0 =	sor.u32 s6, s0  }
0x4c: {  	s30 =	sshrl.u32 s0, $0x3  }
0x4d: {  	s28 =	sor.u32 $0x20, s30  }
0x4e: {  	s29 =	sor.u32 $0x30, s30;
	s5 =	sadd.s32 s1, s28  }
0x4f: {  	[tilespmem:s15], [sflag:$0x2] =	stream.strided.gather [hbm4b:s5+s10], $0x2000, s11, s10, $0x38;
	[tilespmem:$0x16000] =	vst v63  }
0x50: {  	s8 =	sadd.s32 s1, s29  }
0x51: {  	[tilespmem:s16], [sflag:$0x2] =	stream.strided.gather [hbm4b:s8+s10], $0x2000, s11, s10, $0x38;
	[tilespmem:$0x16000] =	vst v63  }
0x52: {  	_ =	swait.ge [sflag:s17], $0x2000  }
0x53: {  	[sflag:s17] =	ssyncset.done $0x0  }
0x54: {  	[sflag:s17] =	ssyncadd.s32 $0xFFFFE000  }
0x55: {  	_ =	swait.ge [sflag:s17], $0x2000  }
0x56: {  	p0 =	seq.s32 s26, $0x0;
	[sflag:s17] =	ssyncset.done $0x0  }
0x57: {  	s0 =	simm.s32 @!p0 $0x3;
	[sflag:s17] =	ssyncadd.s32 $0xFFFFE000  }
0x58: {  	_ =	swait.ge @!p0 [sflag:s0], $0x2000  }
0x59: {  	[sflag:s0] =	ssyncset.done @!p0 $0x0  }
0x5a: {  	[sflag:s0] =	ssyncadd.s32 @!p0 $0xFFFFE000  }
0x5b: {  	_ =	swait.ge @!p0 [sflag:s0], $0x2000  }
0x5c: {  	[sflag:s0] =	ssyncset.done @!p0 $0x0  }
0x5d: {  	s3 =	simm.s32 $0x2020;
	[sflag:s0] =	ssyncadd.s32 @!p0 $0xFFFFE000  }
0x5e: {  	v1 =	vld [tilespmem:s3+$0x10];
	_ =	sdelay $0x1  }
0x5f: {  	v5 =	vld [tilespmem:s3+$0xFFFFFFE0];
	_ =	sdelay $0x1  }
0x60: {  	v3 =	vld [tilespmem:s3+$0xFFFFFFF0]  }
0x61: {  	v0 =	vadd.s32 $0x1, v1  }
0x62: {  	v6 =	vld [tilespmem:s3+$0x0];
	vm0 =	vlt.s32 v0, $0x1FFF  }
0x63: {  	v4 =	vadd.s32 $0x1, v5;
	v2 =	vnsel vm0, $0x1FFF, v0  }
0x64: {  	vm1 =	vlt.s32 v4, $0x1FFF  }
0x65: {  	s4 =	simm.s32 $0x4020;
	v0 =	vadd.s32 $0x1, v3;
	v10 =	vnsel vm1, $0x1FFF, v4  }
0x66: {  	v11 =	vld [tilespmem:s4+$0x10];
	vm10 =	vlt.s32 v0, $0x1FFF  }
0x67: {  	v7 =	vadd.s32 $0x1, v6;
	v9 =	vnsel vm10, $0x1FFF, v0;
	v0 =	vld.idx.msk [tilespmem:v1+s13+$0x0], $0xffff  }
0x68: {  	vm11 =	vlt.s32 v7, $0x1FFF;
	v4 =	vld.idx.msk [tilespmem:v2+s13+$0x0], $0xffff  }
0x69: {  	v18 =	vnsel vm11, $0x1FFF, v7;
	v7 =	vld.idx.msk [tilespmem:v5+s13+$0x0], $0xffff  }
0x6a: {  	v13 =	vld.idx.msk [tilespmem:v10+s13+$0x0], $0xffff  }
0x6b: {  	v15 =	vld [tilespmem:s4+$0xFFFFFFE0]  }
0x6c: {  	v19 =	vld [tilespmem:s4+$0xFFFFFFF0]  }
0x6d: {  	v8 =	vld.idx.msk [tilespmem:v3+s13+$0x0], $0xffff;
	v4 =	vsub.f32 v4, v0  }
0x6e: {  	v12 =	vld.idx.msk [tilespmem:v9+s13+$0x0], $0xffff  }
0x6f: {  	v16 =	vld.idx.msk [tilespmem:v6+s13+$0x0], $0xffff;
	v13 =	vsub.f32 v13, v7;
	v4 =	vmul.f32 v4, v11  }
0x70: {  	v14 =	vld.idx.msk [tilespmem:v18+s13+$0x0], $0xffff  }
0x71: {  	s8 =	simm.s32 $0x2060;
	v13 =	vmul.f32 v13, v15;
	v17 =	vadd.f32 v4, v0;
	v0 =	vld [tilespmem:s4+$0x0]  }
0x72: {  	s5 =	simm.s32 $0xE020;
	v4 =	vld [tilespmem:s8+$0x10]  }
0x73: {  	v12 =	vsub.f32 v12, v8;
	v13 =	vadd.f32 v13, v7;
	v7 =	vld [tilespmem:s8+$0xFFFFFFE0];
	[tilespmem:s5+$0x10] =	vst v17  }
0x74: {  	v20 =	vld.idx.msk [tilespmem:v1+s14+$0x0], $0xffff  }
0x75: {  	v12 =	vmul.f32 v12, v19;
	v17 =	vld.idx.msk [tilespmem:v2+s14+$0x0], $0xffff  }
0x76: {  	v2 =	vld [tilespmem:s8+$0xFFFFFFF0]  }
0x77: {  	v14 =	vsub.f32 v14, v16;
	v8 =	vadd.f32 v12, v8;
	[tilespmem:s5+$0xFFFFFFE0] =	vst v13;
	v1 =	vld [tilespmem:s8+$0x0]  }
0x78: {  	v21 =	vld.idx.msk [tilespmem:v5+s14+$0x0], $0xffff;
	v12 =	vadd.s32 $0x1, v4  }
0x79: {  	v10 =	vld.idx.msk [tilespmem:v10+s14+$0x0], $0xffff;
	[tilespmem:s5+$0xFFFFFFF0] =	vst v8;
	v14 =	vmul.f32 v14, v0;
	vm12 =	vlt.s32 v12, $0x1FFF  }
0x7a: {  	v22 =	vld.idx.msk [tilespmem:v3+s14+$0x0], $0xffff;
	v8 =	vnsel vm12, $0x1FFF, v12  }
0x7b: {  	v5 =	vadd.f32 v14, v16;
	v16 =	vld.idx.msk [tilespmem:v9+s14+$0x0], $0xffff  }
0x7c: {  	v9 =	vadd.s32 $0x1, v7;
	v23 =	vld.idx.msk [tilespmem:v4+s13+$0x0], $0xffff  }
0x7d: {  	vm14 =	vlt.s32 v9, $0x1FFF;
	v14 =	vld.idx.msk [tilespmem:v7+s13+$0x0], $0xffff;
	[tilespmem:s5+$0x0] =	vst v5;
	v5 =	vadd.s32 $0x1, v2  }
0x7e: {  	v17 =	vsub.f32 v17, v20;
	v12 =	vnsel vm14, $0x1FFF, v9;
	vm13 =	vlt.s32 v5, $0x1FFF;
	v3 =	vld.idx.msk [tilespmem:v6+s14+$0x0], $0xffff  }
0x7f: {  	s3 =	simm.s32 $0x4060;
	v13 =	vadd.s32 $0x1, v1;
	v6 =	vnsel vm13, $0x1FFF, v5;
	v24 =	vld.idx.msk [tilespmem:v8+s13+$0x0], $0xffff  }
0x80: {  	v10 =	vsub.f32 v10, v21;
	vm15 =	vlt.s32 v13, $0x1FFF;
	v9 =	vld [tilespmem:s3+$0x10];
	v11 =	vmul.f32 v17, v11  }
0x81: {  	v5 =	vnsel vm15, $0x1FFF, v13;
	v13 =	vld.idx.msk [tilespmem:v2+s13+$0x0], $0xffff  }
0x82: {  	v10 =	vmul.f32 v10, v15;
	v15 =	vadd.f32 v11, v20;
	v11 =	vld [tilespmem:s3+$0xFFFFFFE0]  }
0x83: {  	v16 =	vsub.f32 v16, v22;
	v26 =	vld.idx.msk [tilespmem:v12+s13+$0x0], $0xffff  }
0x84: {  	v25 =	vld.idx.msk [tilespmem:v6+s13+$0x0], $0xffff;
	v20 =	vsub.f32 v24, v23  }
0x85: {  	v19 =	vmul.f32 v16, v19;
	v16 =	vld.idx.msk [tilespmem:v1+s13+$0x0], $0xffff  }
0x86: {  	s0 =	simm.s32 $0x10020;
	v21 =	vadd.f32 v10, v21;
	v17 =	vld.idx.msk [tilespmem:v5+s13+$0x0], $0xffff;
	v20 =	vmul.f32 v20, v9  }
0x87: {  	v10 =	vld [tilespmem:s3+$0xFFFFFFF0];
	[tilespmem:s0+$0x10] =	vst v15;
	v22 =	vadd.f32 v19, v22  }
0x88: {  	s31 =	sshll.u32 s26, $0x2;
	[tilespmem:s0+$0xFFFFFFE0] =	vst v21;
	v15 =	vld [tilespmem:s3+$0x0];
	v20 =	vadd.f32 v20, v23  }
0x89: {  	s4 =	simm.s32 $0xE060;
	s8 =	simm.s32 $0x20A0;
	s5 =	simm.s32 $0x4;
	v18 =	vld.idx.msk [tilespmem:v18+s14+$0x0], $0xffff;
	[tilespmem:s0+$0xFFFFFFF0] =	vst v22;
	v21 =	vsub.f32 v26, v14;
	v19 =	vsub.f32 v25, v13  }
.LBB2_5:
0x8a: {  	v22 =	vld [tilespmem:s8+$0x10];
	[tilespmem:s4+$0x10] =	vst v20  }
0x8b: {  	s5 =	sadd.s32 $0x4, s5;
	v17 =	vsub.f32 v17, v16;
	v20 =	vmul.f32 v21, v11;
	v21 =	vld.idx.msk [tilespmem:v4+s14+$0x0], $0xffff  }
0x8c: {  	p1 =	slt.u32 s5, $0x1FC;
	v25 =	vmul.f32 v19, v10;
	v19 =	vld.idx.msk [tilespmem:v8+s14+$0x0], $0xffff  }
0x8d: {  	v23 =	vld [tilespmem:s8+$0xFFFFFFF0];
	v8 =	vadd.f32 v20, v14;
	v14 =	vmul.f32 v17, v15  }
0x8e: {  	v17 =	vld [tilespmem:s8+$0x0];
	v13 =	vadd.f32 v25, v13  }
0x8f: {  	v20 =	vld [tilespmem:s8+$0xFFFFFFE0];
	v24 =	vadd.s32 $0x1, v22;
	[tilespmem:s4+$0xFFFFFFE0] =	vst v8;
	v14 =	vadd.f32 v14, v16;
	v16 =	vsub.f32 v18, v3;
	v4 =	vmovc v22  }
0x90: {  	vm0 =	vlt.s32 v24, $0x1FFF;
	v18 =	vld.idx.msk [tilespmem:v7+s14+$0x0], $0xffff;
	[tilespmem:s4+$0xFFFFFFF0] =	vst v13  }
0x91: {  	v8 =	vnsel vm0, $0x1FFF, v24;
	v13 =	vld.idx.msk [tilespmem:v12+s14+$0x0], $0xffff;
	[tilespmem:s4+$0x0] =	vst v14;
	v24 =	vmul.f32 v16, v0;
	v0 =	vmov v15  }
0x92: {  	v14 =	vsub.f32 v19, v21;
	v12 =	vadd.s32 $0x1, v23;
	v15 =	vld.idx.msk [tilespmem:v2+s14+$0x0], $0xffff;
	v2 =	vmov v23  }
0x93: {  	vm0 =	vlt.s32 v12, $0x1FFF;
	v16 =	vadd.s32 $0x1, v17;
	v19 =	vld.idx.msk [tilespmem:v6+s14+$0x0], $0xffff;
	v22 =	vadd.f32 v24, v3  }
0x94: {  	v9 =	vmul.f32 v14, v9;
	v23 =	vadd.s32 $0x1, v20;
	vm1 =	vlt.s32 v16, $0x1FFF;
	v3 =	vld.idx.msk [tilespmem:v1+s14+$0x0], $0xffff;
	v1 =	vmovc v17;
	v7 =	vmovc v20  }
0x95: {  	v6 =	vnsel vm0, $0x1FFF, v12;
	vm2 =	vlt.s32 v23, $0x1FFF;
	v24 =	vnsel vm1, $0x1FFF, v16;
	v25 =	vld.idx.msk [tilespmem:v4+s13+$0x0], $0xffff;
	[tilespmem:s0+$0x0] =	vst v22  }
0x96: {  	v9 =	vadd.f32 v9, v21;
	v12 =	vnsel vm2, $0x1FFF, v23;
	v16 =	vld.idx.msk [tilespmem:v8+s13+$0x0], $0xffff  }
0x97: {  	s0 =	sadd.s32 $0x40, s0;
	v17 =	vsub.f32 v13, v18;
	v14 =	vld.idx.msk [tilespmem:v20+s13+$0x0], $0xffff  }
0x98: {  	s3 =	sadd.s32 $0x40, s3;
	v13 =	vld.idx.msk [tilespmem:v2+s13+$0x0], $0xffff;
	[tilespmem:s0+$0x10] =	vst v9  }
0x99: {  	v11 =	vmul.f32 v17, v11;
	v17 =	vsub.f32 v19, v15;
	v9 =	vld [tilespmem:s3+$0x10]  }
0x9a: {  	v19 =	vld.idx.msk [tilespmem:v6+s13+$0x0], $0xffff  }
0x9b: {  	v11 =	vadd.f32 v11, v18;
	v10 =	vmul.f32 v17, v10;
	v21 =	vld.idx.msk [tilespmem:v12+s13+$0x0], $0xffff  }
0x9c: {  	v18 =	vsub.f32 v16, v25;
	v17 =	vld.idx.msk [tilespmem:v24+s13+$0x0], $0xffff  }
.Ltmp1:
0x9d: {  	v15 =	vadd.f32 v10, v15;
	v16 =	vld.idx.msk [tilespmem:v1+s13+$0x0], $0xffff;
	[tilespmem:s0+$0xFFFFFFE0] =	vst v11;
	(pc) =	sbr.rel @p1 .LBB2_5-.Ltmp1, $4  }
0x9e: {  	v11 =	vld [tilespmem:s3+$0xFFFFFFE0];
	v18 =	vmul.f32 v18, v9  }
0x9f: {  	v10 =	vld [tilespmem:s3+$0xFFFFFFF0];
	[tilespmem:s0+$0xFFFFFFF0] =	vst v15  }
0xa0: {  	v19 =	vsub.f32 v19, v13;
	v15 =	vld [tilespmem:s3+$0x0];
	v20 =	vadd.f32 v18, v25  }
0xa1: {  	s8 =	sadd.s32 $0x40, s8;
	s4 =	sadd.s32 $0x40, s4;
	v21 =	vsub.f32 v21, v14;
	v18 =	vld.idx.msk [tilespmem:v5+s14+$0x0], $0xffff;
	v5 =	vmov v24  }
0xa2: {  	_ = 	snop  }
0xa3: {  	v21 =	vmul.f32 v21, v11;
	_ =	sdelay $0x1  }
0xa4: {  	[tilespmem:s4+$0x10] =	vst v20;
	v17 =	vsub.f32 v17, v16;
	v19 =	vmul.f32 v19, v10;
	v14 =	vadd.f32 v21, v14  }
0xa5: {  	v4 =	vld.idx.msk [tilespmem:v4+s14+$0x0], $0xffff  }
0xa6: {  	v8 =	vld.idx.msk [tilespmem:v8+s14+$0x0], $0xffff;
	v17 =	vmul.f32 v17, v15;
	v13 =	vadd.f32 v19, v13;
	[tilespmem:s4+$0xFFFFFFE0] =	vst v14  }
0xa7: {  	v7 =	vld.idx.msk [tilespmem:v7+s14+$0x0], $0xffff  }
0xa8: {  	v14 =	vadd.f32 v17, v16;
	[tilespmem:s4+$0xFFFFFFF0] =	vst v13;
	v12 =	vld.idx.msk [tilespmem:v12+s14+$0x0], $0xffff  }
0xa9: {  	v2 =	vld.idx.msk [tilespmem:v2+s14+$0x0], $0xffff  }
0xaa: {  	[tilespmem:s4+$0x0] =	vst v14;
	v6 =	vld.idx.msk [tilespmem:v6+s14+$0x0], $0xffff  }
0xab: {  	v1 =	vld.idx.msk [tilespmem:v1+s14+$0x0], $0xffff  }
0xac: {  	v5 =	vld.idx.msk [tilespmem:v5+s14+$0x0], $0xffff  }
0xad: {  	v13 =	vsub.f32 v18, v3  }
0xae: {  	v8 =	vsub.f32 v8, v4  }
0xaf: {  	v0 =	vmul.f32 v13, v0;
	v12 =	vsub.f32 v12, v7  }
0xb0: {  	v8 =	vmul.f32 v8, v9;
	v6 =	vsub.f32 v6, v2  }
0xb1: {  	v0 =	vadd.f32 v0, v3;
	v3 =	vmul.f32 v12, v11;
	v5 =	vsub.f32 v5, v1  }
0xb2: {  	v4 =	vadd.f32 v8, v4;
	v6 =	vmul.f32 v6, v10  }
0xb3: {  	s3 =	sadd.s32 $0x40, s0;
	[tilespmem:s0+$0x0] =	vst v0;
	v0 =	vadd.f32 v3, v7;
	v3 =	vmul.f32 v5, v15  }
0xb4: {  	[tilespmem:s3+$0x10] =	vst v4;
	v2 =	vadd.f32 v6, v2  }
0xb5: {  	[tilespmem:s3+$0xFFFFFFE0] =	vst v0;
	v0 =	vadd.f32 v3, v1  }
0xb6: {  	[tilespmem:s3+$0xFFFFFFF0] =	vst v2  }
0xb7: {  	s4 =	sadd.s32 s2, s30;
	[tilespmem:s3+$0x0] =	vst v0  }
0xb8: {  	[hbm4b:s4+s10] =	stream.strided.scatter [tilespmem:s18], [sflag:$0x3], $0x2000, s11, s10, $0x38;
	[tilespmem:$0x16000] =	vst v63  }
0xb9: {  	p1 =	seq.s32 s26, $0x1F;
	s0 =	sadd.s32 $0x10, s4  }
0xba: {  	[hbm4b:s0+s10] =	stream.strided.scatter [tilespmem:s19], [sflag:$0x3], $0x2000, s11, s10, $0x38;
	[tilespmem:$0x16000] =	vst v63  }
0xbb: {  	s0 =	sadd.s32 @!p1 $0x4, s31  }
0xbc: {  	s3 =	sshll.u32 @!p1 s0, $0xD  }
0xbd: {  	s0 =	sshll.u32 @!p1 s0, $0x7;
	s3 =	sand.u32 @!p1 $0x1F0000, s3  }
0xbe: {  	s0 =	sand.u32 @!p1 $0x200, s0;
	s3 =	sadd.s32 @!p1 s6, s3  }
0xbf: {  	s0 =	sor.u32 @!p1 s0, s3  }
0xc0: {  	s5 =	simm.s32 @!p1 $0x6000;
	s0 =	sshrl.u32 @!p1 s0, $0x3  }
0xc1: {  	s4 =	simm.s32 @!p1 $0x400;
	s3 =	simm.s32 @!p1 $0x80;
	s0 =	sadd.s32 @!p1 s1, s0  }
0xc2: {  	[tilespmem:s5], [sflag:$0x1] =	stream.strided.gather @!p1 [hbm4b:s0+s3], $0x2000, s4, s3, $0x38;
	[tilespmem:$0x16000] =	vst v63  }
0xc3: {  	s0 =	sadd.s32 @!p1 $0x5, s31  }
0xc4: {  	s5 =	sshll.u32 @!p1 s0, $0xD  }
0xc5: {  	s0 =	sshll.u32 @!p1 s0, $0x7;
	s5 =	sand.u32 @!p1 $0x1F0000, s5  }
0xc6: {  	s0 =	sand.u32 @!p1 $0x280, s0;
	s5 =	sadd.s32 @!p1 s6, s5  }
0xc7: {  	s0 =	sor.u32 @!p1 s0, s5  }
0xc8: {  	s0 =	sshrl.u32 @!p1 s0, $0x3  }
0xc9: {  	s5 =	simm.s32 @!p1 $0x8000;
	s0 =	sadd.s32 @!p1 s1, s0  }
0xca: {  	[tilespmem:s5], [sflag:$0x1] =	stream.strided.gather @!p1 [hbm4b:s0+s3], $0x2000, s4, s3, $0x38;
	[tilespmem:$0x16000] =	vst v63  }
0xcb: {  	_ =	swait.ge [sflag:s20], $0x2000  }
0xcc: {  	[sflag:s20] =	ssyncset.done $0x0  }
0xcd: {  	[sflag:s20] =	ssyncadd.s32 $0xFFFFE000  }
0xce: {  	_ =	swait.ge [sflag:s20], $0x2000  }
0xcf: {  	[sflag:s20] =	ssyncset.done $0x0  }
0xd0: {  	s0 =	simm.s32 @!p0 $0x4;
	[sflag:s20] =	ssyncadd.s32 $0xFFFFE000  }
0xd1: {  	_ =	swait.ge @!p0 [sflag:s0], $0x2000  }
0xd2: {  	[sflag:s0] =	ssyncset.done @!p0 $0x0  }
0xd3: {  	[sflag:s0] =	ssyncadd.s32 @!p0 $0xFFFFE000  }
0xd4: {  	_ =	swait.ge @!p0 [sflag:s0], $0x2000  }
0xd5: {  	[sflag:s0] =	ssyncset.done @!p0 $0x0  }
0xd6: {  	s5 =	simm.s32 $0x2020;
	[sflag:s0] =	ssyncadd.s32 @!p0 $0xFFFFE000  }
0xd7: {  	v1 =	vld [tilespmem:s5+$0x10];
	_ =	sdelay $0x1  }
0xd8: {  	v5 =	vld [tilespmem:s5+$0xFFFFFFE0];
	_ =	sdelay $0x1  }
0xd9: {  	v3 =	vld [tilespmem:s5+$0xFFFFFFF0]  }
0xda: {  	v0 =	vadd.s32 $0x1, v1  }
0xdb: {  	v6 =	vld [tilespmem:s5+$0x0];
	vm0 =	vlt.s32 v0, $0x1FFF  }
0xdc: {  	v4 =	vadd.s32 $0x1, v5;
	v2 =	vnsel vm0, $0x1FFF, v0  }
0xdd: {  	vm1 =	vlt.s32 v4, $0x1FFF  }
0xde: {  	s8 =	simm.s32 $0x4020;
	v0 =	vadd.s32 $0x1, v3;
	v10 =	vnsel vm1, $0x1FFF, v4  }
0xdf: {  	v11 =	vld [tilespmem:s8+$0x10];
	vm10 =	vlt.s32 v0, $0x1FFF  }
0xe0: {  	v7 =	vadd.s32 $0x1, v6;
	v9 =	vnsel vm10, $0x1FFF, v0;
	v0 =	vld.idx.msk [tilespmem:v1+s15+$0x0], $0xffff  }
0xe1: {  	vm11 =	vlt.s32 v7, $0x1FFF;
	v4 =	vld.idx.msk [tilespmem:v2+s15+$0x0], $0xffff  }
0xe2: {  	v18 =	vnsel vm11, $0x1FFF, v7;
	v7 =	vld.idx.msk [tilespmem:v5+s15+$0x0], $0xffff  }
0xe3: {  	v13 =	vld.idx.msk [tilespmem:v10+s15+$0x0], $0xffff  }
0xe4: {  	v15 =	vld [tilespmem:s8+$0xFFFFFFE0]  }
0xe5: {  	v19 =	vld [tilespmem:s8+$0xFFFFFFF0]  }
0xe6: {  	v8 =	vld.idx.msk [tilespmem:v3+s15+$0x0], $0xffff;
	v4 =	vsub.f32 v4, v0  }
0xe7: {  	v12 =	vld.idx.msk [tilespmem:v9+s15+$0x0], $0xffff  }
0xe8: {  	v16 =	vld.idx.msk [tilespmem:v6+s15+$0x0], $0xffff;
	v13 =	vsub.f32 v13, v7;
	v4 =	vmul.f32 v4, v11  }
0xe9: {  	v14 =	vld.idx.msk [tilespmem:v18+s15+$0x0], $0xffff  }
0xea: {  	s31 =	simm.s32 $0x2060;
	v13 =	vmul.f32 v13, v15;
	v17 =	vadd.f32 v4, v0;
	v0 =	vld [tilespmem:s8+$0x0]  }
0xeb: {  	s30 =	simm.s32 $0x12020;
	v4 =	vld [tilespmem:s31+$0x10]  }
0xec: {  	v12 =	vsub.f32 v12, v8;
	v13 =	vadd.f32 v13, v7;
	v7 =	vld [tilespmem:s31+$0xFFFFFFE0];
	[tilespmem:s30+$0x10] =	vst v17  }
0xed: {  	v20 =	vld.idx.msk [tilespmem:v1+s16+$0x0], $0xffff  }
0xee: {  	v12 =	vmul.f32 v12, v19;
	v17 =	vld.idx.msk [tilespmem:v2+s16+$0x0], $0xffff  }
0xef: {  	v2 =	vld [tilespmem:s31+$0xFFFFFFF0]  }
0xf0: {  	v14 =	vsub.f32 v14, v16;
	v8 =	vadd.f32 v12, v8;
	[tilespmem:s30+$0xFFFFFFE0] =	vst v13;
	v1 =	vld [tilespmem:s31+$0x0]  }
0xf1: {  	v21 =	vld.idx.msk [tilespmem:v5+s16+$0x0], $0xffff;
	v12 =	vadd.s32 $0x1, v4  }
0xf2: {  	v10 =	vld.idx.msk [tilespmem:v10+s16+$0x0], $0xffff;
	[tilespmem:s30+$0xFFFFFFF0] =	vst v8;
	v14 =	vmul.f32 v14, v0;
	vm12 =	vlt.s32 v12, $0x1FFF  }
0xf3: {  	v22 =	vld.idx.msk [tilespmem:v3+s16+$0x0], $0xffff;
	v8 =	vnsel vm12, $0x1FFF, v12  }
0xf4: {  	v5 =	vadd.f32 v14, v16;
	v16 =	vld.idx.msk [tilespmem:v9+s16+$0x0], $0xffff  }
0xf5: {  	v9 =	vadd.s32 $0x1, v7;
	v23 =	vld.idx.msk [tilespmem:v4+s15+$0x0], $0xffff  }
0xf6: {  	vm14 =	vlt.s32 v9, $0x1FFF;
	v14 =	vld.idx.msk [tilespmem:v7+s15+$0x0], $0xffff;
	[tilespmem:s30+$0x0] =	vst v5;
	v5 =	vadd.s32 $0x1, v2  }
0xf7: {  	v17 =	vsub.f32 v17, v20;
	v12 =	vnsel vm14, $0x1FFF, v9;
	vm13 =	vlt.s32 v5, $0x1FFF;
	v3 =	vld.idx.msk [tilespmem:v6+s16+$0x0], $0xffff  }
0xf8: {  	s3 =	simm.s32 $0x4060;
	v13 =	vadd.s32 $0x1, v1;
	v6 =	vnsel vm13, $0x1FFF, v5;
	v24 =	vld.idx.msk [tilespmem:v8+s15+$0x0], $0xffff  }
0xf9: {  	v10 =	vsub.f32 v10, v21;
	vm15 =	vlt.s32 v13, $0x1FFF;
	v9 =	vld [tilespmem:s3+$0x10];
	v11 =	vmul.f32 v17, v11  }
0xfa: {  	v5 =	vnsel vm15, $0x1FFF, v13;
	v13 =	vld.idx.msk [tilespmem:v2+s15+$0x0], $0xffff  }
0xfb: {  	v10 =	vmul.f32 v10, v15;
	v15 =	vadd.f32 v11, v20;
	v11 =	vld [tilespmem:s3+$0xFFFFFFE0]  }
0xfc: {  	v16 =	vsub.f32 v16, v22;
	v26 =	vld.idx.msk [tilespmem:v12+s15+$0x0], $0xffff  }
0xfd: {  	v25 =	vld.idx.msk [tilespmem:v6+s15+$0x0], $0xffff;
	v20 =	vsub.f32 v24, v23  }
0xfe: {  	v19 =	vmul.f32 v16, v19;
	v16 =	vld.idx.msk [tilespmem:v1+s15+$0x0], $0xffff  }
0xff: {  	s0 =	simm.s32 $0x14020;
	v21 =	vadd.f32 v10, v21;
	v17 =	vld.idx.msk [tilespmem:v5+s15+$0x0], $0xffff;
	v20 =	vmul.f32 v20, v9  }
0x100: {  	v10 =	vld [tilespmem:s3+$0xFFFFFFF0];
	[tilespmem:s0+$0x10] =	vst v15;
	v22 =	vadd.f32 v19, v22  }
0x101: {  	[tilespmem:s0+$0xFFFFFFE0] =	vst v21;
	v15 =	vld [tilespmem:s3+$0x0];
	v20 =	vadd.f32 v20, v23  }
0x102: {  	s4 =	simm.s32 $0x12060;
	s5 =	simm.s32 $0x4;
	s8 =	simm.s32 $0x20A0;
	v18 =	vld.idx.msk [tilespmem:v18+s16+$0x0], $0xffff;
	[tilespmem:s0+$0xFFFFFFF0] =	vst v22;
	v21 =	vsub.f32 v26, v14;
	v19 =	vsub.f32 v25, v13  }
.LBB2_7:
0x103: {  	v22 =	vld [tilespmem:s8+$0x10];
	[tilespmem:s4+$0x10] =	vst v20  }
0x104: {  	s5 =	sadd.s32 $0x4, s5;
	v17 =	vsub.f32 v17, v16;
	v20 =	vmul.f32 v21, v11;
	v21 =	vld.idx.msk [tilespmem:v4+s16+$0x0], $0xffff  }
0x105: {  	p0 =	slt.u32 s5, $0x1FC;
	v25 =	vmul.f32 v19, v10;
	v19 =	vld.idx.msk [tilespmem:v8+s16+$0x0], $0xffff  }
0x106: {  	v23 =	vld [tilespmem:s8+$0xFFFFFFF0];
	v8 =	vadd.f32 v20, v14;
	v14 =	vmul.f32 v17, v15  }
0x107: {  	v17 =	vld [tilespmem:s8+$0x0];
	v13 =	vadd.f32 v25, v13  }
0x108: {  	v20 =	vld [tilespmem:s8+$0xFFFFFFE0];
	v24 =	vadd.s32 $0x1, v22;
	[tilespmem:s4+$0xFFFFFFE0] =	vst v8;
	v14 =	vadd.f32 v14, v16;
	v16 =	vsub.f32 v18, v3;
	v4 =	vmovc v22  }
0x109: {  	vm0 =	vlt.s32 v24, $0x1FFF;
	v18 =	vld.idx.msk [tilespmem:v7+s16+$0x0], $0xffff;
	[tilespmem:s4+$0xFFFFFFF0] =	vst v13  }
0x10a: {  	v8 =	vnsel vm0, $0x1FFF, v24;
	v13 =	vld.idx.msk [tilespmem:v12+s16+$0x0], $0xffff;
	[tilespmem:s4+$0x0] =	vst v14;
	v24 =	vmul.f32 v16, v0;
	v0 =	vmov v15  }
0x10b: {  	v14 =	vsub.f32 v19, v21;
	v12 =	vadd.s32 $0x1, v23;
	v15 =	vld.idx.msk [tilespmem:v2+s16+$0x0], $0xffff;
	v2 =	vmov v23  }
0x10c: {  	vm0 =	vlt.s32 v12, $0x1FFF;
	v16 =	vadd.s32 $0x1, v17;
	v19 =	vld.idx.msk [tilespmem:v6+s16+$0x0], $0xffff;
	v22 =	vadd.f32 v24, v3  }
0x10d: {  	v9 =	vmul.f32 v14, v9;
	v23 =	vadd.s32 $0x1, v20;
	vm1 =	vlt.s32 v16, $0x1FFF;
	v3 =	vld.idx.msk [tilespmem:v1+s16+$0x0], $0xffff;
	v1 =	vmovc v17;
	v7 =	vmovc v20  }
0x10e: {  	v6 =	vnsel vm0, $0x1FFF, v12;
	vm2 =	vlt.s32 v23, $0x1FFF;
	v24 =	vnsel vm1, $0x1FFF, v16;
	v25 =	vld.idx.msk [tilespmem:v4+s15+$0x0], $0xffff;
	[tilespmem:s0+$0x0] =	vst v22  }
0x10f: {  	v9 =	vadd.f32 v9, v21;
	v12 =	vnsel vm2, $0x1FFF, v23;
	v16 =	vld.idx.msk [tilespmem:v8+s15+$0x0], $0xffff  }
0x110: {  	s0 =	sadd.s32 $0x40, s0;
	v17 =	vsub.f32 v13, v18;
	v14 =	vld.idx.msk [tilespmem:v20+s15+$0x0], $0xffff  }
0x111: {  	s3 =	sadd.s32 $0x40, s3;
	v13 =	vld.idx.msk [tilespmem:v2+s15+$0x0], $0xffff;
	[tilespmem:s0+$0x10] =	vst v9  }
0x112: {  	v11 =	vmul.f32 v17, v11;
	v17 =	vsub.f32 v19, v15;
	v9 =	vld [tilespmem:s3+$0x10]  }
0x113: {  	v19 =	vld.idx.msk [tilespmem:v6+s15+$0x0], $0xffff  }
0x114: {  	v11 =	vadd.f32 v11, v18;
	v10 =	vmul.f32 v17, v10;
	v21 =	vld.idx.msk [tilespmem:v12+s15+$0x0], $0xffff  }
0x115: {  	v18 =	vsub.f32 v16, v25;
	v17 =	vld.idx.msk [tilespmem:v24+s15+$0x0], $0xffff  }
.Ltmp2:
0x116: {  	v15 =	vadd.f32 v10, v15;
	v16 =	vld.idx.msk [tilespmem:v1+s15+$0x0], $0xffff;
	[tilespmem:s0+$0xFFFFFFE0] =	vst v11;
	(pc) =	sbr.rel @p0 .LBB2_7-.Ltmp2, $4  }
0x117: {  	v11 =	vld [tilespmem:s3+$0xFFFFFFE0];
	v18 =	vmul.f32 v18, v9  }
0x118: {  	v10 =	vld [tilespmem:s3+$0xFFFFFFF0];
	[tilespmem:s0+$0xFFFFFFF0] =	vst v15  }
0x119: {  	v19 =	vsub.f32 v19, v13;
	v15 =	vld [tilespmem:s3+$0x0];
	v20 =	vadd.f32 v18, v25  }
0x11a: {  	s8 =	sadd.s32 $0x40, s8;
	s4 =	sadd.s32 $0x40, s4;
	v21 =	vsub.f32 v21, v14;
	v18 =	vld.idx.msk [tilespmem:v5+s16+$0x0], $0xffff;
	v5 =	vmov v24  }
0x11b: {  	_ = 	snop  }
0x11c: {  	v21 =	vmul.f32 v21, v11;
	_ =	sdelay $0x1  }
0x11d: {  	[tilespmem:s4+$0x10] =	vst v20;
	v17 =	vsub.f32 v17, v16;
	v19 =	vmul.f32 v19, v10;
	v14 =	vadd.f32 v21, v14  }
0x11e: {  	v4 =	vld.idx.msk [tilespmem:v4+s16+$0x0], $0xffff  }
0x11f: {  	v8 =	vld.idx.msk [tilespmem:v8+s16+$0x0], $0xffff;
	v17 =	vmul.f32 v17, v15;
	v13 =	vadd.f32 v19, v13;
	[tilespmem:s4+$0xFFFFFFE0] =	vst v14  }
0x120: {  	v7 =	vld.idx.msk [tilespmem:v7+s16+$0x0], $0xffff  }
0x121: {  	v58 =	vadd.f32 v17, v16;
	[tilespmem:s4+$0xFFFFFFF0] =	vst v13;
	v12 =	vld.idx.msk [tilespmem:v12+s16+$0x0], $0xffff  }
0x122: {  	v2 =	vld.idx.msk [tilespmem:v2+s16+$0x0], $0xffff  }
0x123: {  	[tilespmem:s4+$0x0] =	vst v58;
	v6 =	vld.idx.msk [tilespmem:v6+s16+$0x0], $0xffff  }
0x124: {  	v1 =	vld.idx.msk [tilespmem:v1+s16+$0x0], $0xffff  }
0x125: {  	v5 =	vld.idx.msk [tilespmem:v5+s16+$0x0], $0xffff  }
0x126: {  	v59 =	vsub.f32 v18, v3  }
0x127: {  	v8 =	vsub.f32 v8, v4  }
0x128: {  	v0 =	vmul.f32 v59, v0;
	v12 =	vsub.f32 v12, v7  }
0x129: {  	v8 =	vmul.f32 v8, v9;
	v6 =	vsub.f32 v6, v2  }
0x12a: {  	v0 =	vadd.f32 v0, v3;
	v60 =	vmul.f32 v12, v11;
	v5 =	vsub.f32 v5, v1  }
0x12b: {  	v4 =	vadd.f32 v8, v4;
	v6 =	vmul.f32 v6, v10  }
0x12c: {  	s8 =	sadd.s32 $0x40, s0;
	[tilespmem:s0+$0x0] =	vst v0;
	v61 =	vadd.f32 v60, v7;
	v62 =	vmul.f32 v5, v15  }
0x12d: {  	s26 =	sadd.s32 $0x1, s26;
	[tilespmem:s8+$0x10] =	vst v4;
	v2 =	vadd.f32 v6, v2  }
0x12e: {  	p0 =	sne.s32 s26, $0x20;
	[tilespmem:s8+$0xFFFFFFE0] =	vst v61;
	v63 =	vadd.f32 v62, v1  }
.Ltmp3:
0x12f: {  	[tilespmem:s8+$0xFFFFFFF0] =	vst v2;
	(pc) =	sbr.rel @p0 .LBB2_4-.Ltmp3, $4  }
0x130: {  	s30 =	sadd.s32 s2, s28;
	[tilespmem:s8+$0x0] =	vst v63  }
0x131: {  	[hbm4b:s30+s10] =	stream.strided.scatter [tilespmem:s21], [sflag:$0x4], $0x2000, s11, s10, $0x38;
	[tilespmem:$0x16000] =	vst v63  }
0x132: {  	s31 =	sadd.s32 s2, s29  }
0x133: {  	[hbm4b:s31+s10] =	stream.strided.scatter [tilespmem:s22], [sflag:$0x4], $0x2000, s11, s10, $0x38;
	[tilespmem:$0x16000] =	vst v63  }
0x134: {  	_ =	swait.ge [sflag:s23], $0x2000  }
0x135: {  	[sflag:s23] =	ssyncset.done $0x0  }
0x136: {  	[sflag:s23] =	ssyncadd.s32 $0xFFFFE000  }
0x137: {  	_ =	swait.ge [sflag:s23], $0x2000  }
0x138: {  	[sflag:s23] =	ssyncset.done $0x0  }
0x139: {  	s25 =	sadd.s32 $0x1, s25;
	[sflag:s23] =	ssyncadd.s32 $0xFFFFE000  }
0x13a: {  	p0 =	sne.s32 s25, s9;
	_ =	swait.ge [sflag:s24], $0x2000  }
.Ltmp4:
0x13b: {  	[sflag:s24] =	ssyncset.done $0x0;
	(pc) =	sbr.rel @p0 .LBB2_1-.Ltmp4, $4  }
0x13c: {  	[sflag:s24] =	ssyncadd.s32 $0xFFFFE000  }
0x13d: {  	_ =	swait.ge [sflag:s24], $0x2000  }
0x13e: {  	[sflag:s24] =	ssyncset.done $0x0  }
0x13f: {  	[sflag:s24] =	ssyncadd.s32 $0xFFFFE000  }
0x140: {  	_ =	sfence.sel $0x180000  }
0x141: {  	[bflag:$0x0] =	sbarrier.arrive $0xFFFF  }
0x142: {  	_ =	strace $0x90000047  }
0x143: {  	s0 =	stileid.u32;
	[bflag:$0x2] =	sbarrier.arrive $0xFFFF  }
0x144: {  	p0 =	sne.s32 s0, $0x0;
	s0 =	rddreg [dreg:$0x3]  }
0x145: {  	s0 =	sadd.s32 @!p0 $0x100000, s0  }
0x146: {  	[sflag:s0] =	ssyncadd.tile.s32 @!p0 $0x1;
	_ =	shalt  }
.Lfunc_end2:
_tile_overlayer_lowered:
.L_overlay_start_2:
0x147: {  	(tag) =	ssettag $0x2  }
0x148: {  	s0 =	rddreg [dreg:$0x0];
	s2 =	stileid.u32  }
0x149: {  	s1 =	rddreg [dreg:$0x1];
	p0 =	sne.s32 s2, $0x0  }
0x14a: {  	s3 =	rddreg [dreg:$0x2];
	[bflag:$0x3] =	sbarrier.arrive $0xFFFF;
	s2 =	simm.s32 @!p0 $0x1C05  }
0x14b: {  	[timem:s3], [sflag:s2] =	dma.local @!p0 [hbm:s0], s1  }
0x14c: {  	s0 =	simm.s32 @!p0 $0x5  }
0x14d: {  	_ =	swait.ge @!p0 [sflag:s0], s1  }
0x14e: {  	s1 =	ssub.s32 @!p0 $0x0, s1;
	[sflag:s0] =	ssyncset.done @!p0 $0x0  }
0x14f: {  	[sflag:s0] =	ssyncadd.s32 @!p0 s1  }
0x150: {  	[bflag:$0x3] =	sbarrier.arrive $0xFFFF  }
0x151: {  	_ =	shalt  }

</sc_bundles>
